<compile_context>
chip_gen: v7x
topology: tpu7x:2x2x1
jax: 0.10.2.dev20260603
libtpu: 0.0.44.dev20260713+nightly
codegen_flags: <defaults>
</compile_context>

<pallas_src>
import functools

import jax
import jax.numpy as jnp
from jax import lax
from jax.experimental import pallas as pl
from jax.experimental.pallas import tpu as pltpu
from jax.experimental.pallas import tpu_sc as plsc

_B = 16384
_NC = 2
_NS = 16
_NW = _NC * _NS
_BPW = _B // _NW
_L = 16
_CHUNK = 128
_NCHUNK = _BPW // _CHUNK
_GPC = _CHUNK // _L

_DW = 64

_SFEATS = (
    (5, 0, 25),
    (3, 120, 30),
    (2, 156, 33),
    (1, 170, 35),
)
_STWORDS = 172
_STPAD = 192


def _sc_gather(emap_i32, tsml_i32, i_map, i_hour, i_month, i_dow, i_year):
    mesh = plsc.VectorSubcoreMesh(core_axis_name="c", subcore_axis_name="s")

    @functools.partial(
        pl.kernel,
        mesh=mesh,
        compiler_params=pltpu.CompilerParams(
            needs_layout_passes=False, use_tc_tiling_on_sc=False),
        out_type=jax.ShapeDtypeStruct((_NW, _BPW, _DW), jnp.int32),
        scratch_types=[
            pltpu.VMEM((_BPW,), jnp.int32),
            pltpu.VMEM((_BPW, _DW), jnp.int32),
            pltpu.VMEM((_STPAD,), jnp.int32),
            pltpu.VMEM((_BPW,), jnp.int32),
            pltpu.VMEM((_BPW,), jnp.int32),
            pltpu.VMEM((_BPW,), jnp.int32),
            pltpu.VMEM((_BPW,), jnp.int32),
            pltpu.SemaphoreType.DMA,
            pltpu.SemaphoreType.DMA,
            pltpu.SemaphoreType.DMA,
        ],
    )
    def k(emap_hbm, tsml_hbm, im_hbm, i1_hbm, i2_hbm, i3_hbm, i4_hbm,
          out_hbm, im_v, rows_v, tsml_v, i1_v, i2_v, i3_v, i4_v,
          sem, sem2, sem3):
        wid = lax.axis_index("s") * _NC + lax.axis_index("c")
        base = wid * _BPW
        pltpu.sync_copy(im_hbm.at[pl.ds(base, _BPW)], im_v)

        gathers = [
            pltpu.async_copy(
                emap_hbm.at[im_v.at[pl.ds(c * _CHUNK, _CHUNK)]],
                rows_v.at[pl.ds(c * _CHUNK, _CHUNK)],
                sem,
            )
            for c in range(_NCHUNK)
        ]

        small_copies = [
            pltpu.async_copy(tsml_hbm, tsml_v, sem2),
            pltpu.async_copy(i1_hbm.at[pl.ds(base, _BPW)], i1_v, sem2),
            pltpu.async_copy(i2_hbm.at[pl.ds(base, _BPW)], i2_v, sem2),
            pltpu.async_copy(i3_hbm.at[pl.ds(base, _BPW)], i3_v, sem2),
            pltpu.async_copy(i4_hbm.at[pl.ds(base, _BPW)], i4_v, sem2),
        ]
        for cp in small_copies:
            cp.wait()

        idx_refs = (i1_v, i2_v, i3_v, i4_v)

        def body(g, carry):
            b = g * _L
            rows16 = b + lax.iota(jnp.int32, _L)
            for (dim, toff, coff), iref in zip(_SFEATS, idx_refs):
                rows = iref[pl.ds(b, _L)]
                addr = rows * dim + toff if dim > 1 else rows + toff
                for j in range(dim):
                    v = plsc.load_gather(tsml_v, [addr + j if j else addr])
                    plsc.store_scatter(
                        rows_v,
                        [rows16, jnp.full((_L,), coff + j, jnp.int32)], v)
            return carry

        writes = []
        for c in range(_NCHUNK):
            gathers[c].wait()
            lax.fori_loop(c * _GPC, (c + 1) * _GPC, body, 0)
            writes.append(pltpu.async_copy(
                rows_v.at[pl.ds(c * _CHUNK, _CHUNK)],
                out_hbm.at[wid, pl.ds(c * _CHUNK, _CHUNK)],
                sem3,
            ))
        for wr in writes:
            wr.wait()

    return k(emap_i32, tsml_i32, i_map, i_hour, i_month, i_dow, i_year)


def _tc_mlp(ei, w1lo, w1hi, b1, w2, b2, w3, b3):
    bm = 4096
    nrows = ei.shape[0]

    def body(e_ref, w1lo_ref, w1hi_ref, b1_ref, w2_ref, b2_ref,
             w3_ref, b3_ref, o_ref):
        x = e_ref[...]
        w1lo_v = w1lo_ref[...]
        w1hi_v = w1hi_ref[...]
        a1s = []
        for h in (x[:, :_DW], x[:, _DW:]):
            lo = lax.bitcast_convert_type(
                h << 16, jnp.float32).astype(jnp.bfloat16)
            hi = lax.bitcast_convert_type(
                h & jnp.int32(-65536), jnp.float32).astype(jnp.bfloat16)
            a1s.append(
                jnp.dot(lo, w1lo_v, preferred_element_type=jnp.float32)
                + jnp.dot(hi, w1hi_v, preferred_element_type=jnp.float32))
        bm = x.shape[0]
        a1 = jnp.maximum(jnp.concatenate(a1s, axis=0) + b1_ref[...], 0.0)
        a2 = jnp.maximum(
            jnp.dot(a1, w2_ref[...], preferred_element_type=jnp.float32)
            + b2_ref[...], 0.0)
        z = jnp.dot(a2, w3_ref[...], preferred_element_type=jnp.float32)
        o = jax.nn.sigmoid(z + b3_ref[...])
        o_ref[...] = jnp.concatenate([o[:bm], o[bm:]], axis=1)

    return pl.pallas_call(
        body,
        grid=(nrows // bm,),
        in_specs=[
            pl.BlockSpec((bm, 2 * _DW), lambda i: (i, 0)),
            pl.BlockSpec((_DW, 100), lambda i: (0, 0)),
            pl.BlockSpec((_DW, 100), lambda i: (0, 0)),
            pl.BlockSpec((1, 100), lambda i: (0, 0)),
            pl.BlockSpec((100, 50), lambda i: (0, 0)),
            pl.BlockSpec((1, 50), lambda i: (0, 0)),
            pl.BlockSpec((50, 1), lambda i: (0, 0)),
            pl.BlockSpec((1, 1), lambda i: (0, 0)),
        ],
        out_specs=pl.BlockSpec((bm, 2), lambda i: (i, 0)),
        out_shape=jax.ShapeDtypeStruct((nrows, 2), jnp.float32),
    )(ei, w1lo, w1hi, b1, w2, b2, w3, b3)


def _pack_pairs(t_bf16):
    r, c = t_bf16.shape
    return lax.bitcast_convert_type(
        t_bf16.reshape(r, c // 2, 2), jnp.int32)


def kernel(mapidx, year, month, dow, hour, E_map, E_year, E_month, E_dow,
           E_hour, W1, b1, W2, b2, W3, b3):
    im = mapidx.reshape(-1).astype(jnp.int32)
    i1 = hour.reshape(-1).astype(jnp.int32)
    i2 = month.reshape(-1).astype(jnp.int32)
    i3 = dow.reshape(-1).astype(jnp.int32)
    i4 = year.reshape(-1).astype(jnp.int32)

    emap_i32 = _pack_pairs(
        jnp.pad(E_map.astype(jnp.bfloat16), ((0, 0), (0, 2 * _DW - 50))))
    hour_p = _pack_pairs(E_hour.astype(jnp.bfloat16))
    month_p = _pack_pairs(E_month.astype(jnp.bfloat16))
    dow_p = _pack_pairs(
        jnp.pad(E_dow.astype(jnp.bfloat16), ((0, 0), (0, 1))))
    year_p = _pack_pairs(
        jnp.pad(E_year.astype(jnp.bfloat16), ((0, 0), (0, 1))))
    tsml = jnp.concatenate([
        hour_p.reshape(-1), month_p.reshape(-1), dow_p.reshape(-1),
        year_p.reshape(-1),
        jnp.zeros((_STPAD - _STWORDS,), jnp.int32),
    ])

    out3 = _sc_gather(emap_i32, tsml, im, i1, i2, i3, i4)
    ei = out3.reshape(_B // 2, 2 * _DW)

    w1p = jnp.zeros((2 * _DW, 100), jnp.float32)
    w1p = w1p.at[0:50].set(W1[0:50])
    w1p = w1p.at[50:60].set(W1[60:70])
    w1p = w1p.at[60:66].set(W1[51:57])
    w1p = w1p.at[66:69].set(W1[57:60])
    w1p = w1p.at[70].set(W1[50])
    w1lo = w1p[0::2].astype(jnp.bfloat16)
    w1hi = w1p[1::2].astype(jnp.bfloat16)

    o2 = _tc_mlp(ei, w1lo, w1hi, b1.reshape(1, 100), W2,
                 b2.reshape(1, 50), W3, b3.reshape(1, 1))
    return o2.reshape(_B, 1)

# --- scband reference (transcript-rebuilt; emitter-appended) ---
"""Pipeline reference for scband-nn-with-entity-embedding-75591424410250 (READ-ONLY COPY).

The authoritative reference and input builder live on the scoring server;
editing this copy changes nothing except your own understanding.
"""

import jax, jax.numpy as jnp
import numpy as np

B = 16384

def setup_inputs(seed: int = 0) -> dict:
    key = jax.random.key(seed)
    ks = jax.random.split(key, 16)
    inp = {}
    inp['mapidx'] = jax.random.randint(ks[0], (B, 1), 0, 1024, dtype=jnp.int64) if jax.config.read('jax_enable_x64') else jax.random.randint(ks[0], (B, 1), 0, 1024, dtype=jnp.int32)
    inp['year'] = jax.random.randint(ks[1], (B, 1), 0, 2, dtype=jnp.int32)
    inp['month'] = jax.random.randint(ks[2], (B, 1), 0, 12, dtype=jnp.int32)
    inp['dow'] = jax.random.randint(ks[3], (B, 1), 0, 7, dtype=jnp.int32)
    inp['hour'] = jax.random.randint(ks[4], (B, 1), 0, 24, dtype=jnp.int32)
    # learned parameters: embedding tables + MLP weights
    inp['E_map'] = jax.random.normal(ks[5], (1024, 50), dtype=jnp.float32) * 0.05
    inp['E_year'] = jax.random.normal(ks[6], (2, 1), dtype=jnp.float32) * 0.05
    inp['E_month'] = jax.random.normal(ks[7], (12, 6), dtype=jnp.float32) * 0.05
    inp['E_dow'] = jax.random.normal(ks[8], (7, 3), dtype=jnp.float32) * 0.05
    inp['E_hour'] = jax.random.normal(ks[9], (24, 10), dtype=jnp.float32) * 0.05
    inp['W1'] = jax.random.uniform(ks[10], (70, 100), dtype=jnp.float32, minval=-0.05, maxval=0.05)
    inp['b1'] = jnp.zeros((100,), dtype=jnp.float32)
    inp['W2'] = jax.random.uniform(ks[11], (100, 50), dtype=jnp.float32, minval=-0.05, maxval=0.05)
    inp['b2'] = jnp.zeros((50,), dtype=jnp.float32)
    inp['W3'] = jax.random.uniform(ks[12], (50, 1), dtype=jnp.float32, minval=-0.05, maxval=0.05)
    inp['b3'] = jnp.zeros((1,), dtype=jnp.float32)
    return inp


def reference(mapidx, year, month, dow, hour, E_map, E_year, E_month, E_dow, E_hour, W1, b1, W2, b2, W3, b3):
    # Embedding lookups (input_length=1, then Reshape to (dim,))
    e0 = jnp.take(E_map, mapidx[:, 0], axis=0)    # [B, 50]
    e1 = jnp.take(E_year, year[:, 0], axis=0)     # [B, 1]
    e2 = jnp.take(E_month, month[:, 0], axis=0)   # [B, 6]
    e3 = jnp.take(E_dow, dow[:, 0], axis=0)       # [B, 3]
    e4 = jnp.take(E_hour, hour[:, 0], axis=0)     # [B, 10]
    h = jnp.concatenate([e0, e1, e2, e3, e4], axis=1)  # [B, 70]
    # Dropout(0.5) is identity at inference
    h = jax.nn.relu(h @ W1 + b1)
    h = jax.nn.relu(h @ W2 + b2)
    out = jax.nn.sigmoid(h @ W3 + b3)  # [B, 1]
    return out

if __name__ == "__main__":
    import jax
    _d = setup_inputs()
    print(jax.jit(kernel)(*tuple(_d.values())))

</pallas_src>

<mosaic_0001>
#map = affine_map<(d0, d1) -> (0, 0)>
#map1 = affine_map<(d0, d1) -> (0)>
#map2 = affine_map<(d0, d1) -> (0, 0, 0)>
module attributes {stable_mosaic.version = 14 : i64} {
  func.func @k(%arg0: i32, %arg1: i32, %arg2: memref<1024x64xi32, #tpu.memory_space<hbm>>, %arg3: memref<192xi32, #tpu.memory_space<hbm>>, %arg4: memref<16384xi32, #tpu.memory_space<hbm>>, %arg5: memref<16384xi32, #tpu.memory_space<hbm>>, %arg6: memref<16384xi32, #tpu.memory_space<hbm>>, %arg7: memref<16384xi32, #tpu.memory_space<hbm>>, %arg8: memref<16384xi32, #tpu.memory_space<hbm>>, %arg9: memref<32x512x64xi32, #tpu.memory_space<hbm>>, %arg10: memref<512xi32, #tpu.memory_space<vmem>>, %arg11: memref<512x64xi32, #tpu.memory_space<vmem>>, %arg12: memref<192xi32, #tpu.memory_space<vmem>>, %arg13: memref<512xi32, #tpu.memory_space<vmem>>, %arg14: memref<512xi32, #tpu.memory_space<vmem>>, %arg15: memref<512xi32, #tpu.memory_space<vmem>>, %arg16: memref<512xi32, #tpu.memory_space<vmem>>, %arg17: memref<!tpu.dma_semaphore, #tpu.memory_space<semaphore_mem>>, %arg18: memref<!tpu.dma_semaphore, #tpu.memory_space<semaphore_mem>>, %arg19: memref<!tpu.dma_semaphore, #tpu.memory_space<semaphore_mem>>) attributes {dimension_semantics = [#tpu.dimension_semantics<core_parallel>, #tpu.dimension_semantics<subcore_parallel>], iteration_bounds = array<i64: 2, 16>, scalar_prefetch = 0 : i64, scratch_operands = 10 : i64, tpu.core_type = #tpu.core_type<sc_vector_subcore>, window_params = [{transform_indices = #map}, {transform_indices = #map1}, {transform_indices = #map1}, {transform_indices = #map1}, {transform_indices = #map1}, {transform_indices = #map1}, {transform_indices = #map1}, {transform_indices = #map2}]} {
    %mul3A = arith.constant 2 : i32
    %mul3A_0 = arith.muli %arg1, %mul3A : i32
    %add3A = arith.addi %mul3A_0, %arg0 : i32
    %mul3A_1 = arith.constant 512 : i32
    %mul3A_2 = arith.muli %add3A, %mul3A_1 : i32
    "tpu.region"() ({
      %run_scoped3A = tpu.sem_alloc : memref<!tpu.dma_semaphore, #tpu.memory_space<semaphore_mem>>
      %dma_start3A_216 = tpu.memref_slice %arg4[%mul3A_2] : memref<16384xi32, #tpu.memory_space<hbm>> -> memref<512xi32, #tpu.memory_space<hbm>>
      %dma_start3A_217 = tpu.memref_slice %arg4[%mul3A_2] : memref<16384xi32, #tpu.memory_space<hbm>> -> memref<512xi32, #tpu.memory_space<hbm>>
      tpu.enqueue_dma source(%dma_start3A_217 : memref<512xi32, #tpu.memory_space<hbm>>) target(%arg10 : memref<512xi32, #tpu.memory_space<vmem>>) target_semaphore(%run_scoped3A : memref<!tpu.dma_semaphore, #tpu.memory_space<semaphore_mem>>)
      %dma_wait3A_218 = tpu.memref_slice %arg4[%mul3A_2] : memref<16384xi32, #tpu.memory_space<hbm>> -> memref<512xi32, #tpu.memory_space<hbm>>
      %dma_wait3A_219 = tpu.memref_slice %arg4[%mul3A_2] : memref<16384xi32, #tpu.memory_space<hbm>> -> memref<512xi32, #tpu.memory_space<hbm>>
      tpu.wait_dma2 semaphore(%run_scoped3A : memref<!tpu.dma_semaphore, #tpu.memory_space<semaphore_mem>>) src(%dma_wait3A_219 : memref<512xi32, #tpu.memory_space<hbm>>) dst(%arg10 : memref<512xi32, #tpu.memory_space<vmem>>)
      tpu.yield
    }) : () -> ()
    %dma_start3A = arith.constant 0 : i32
    %dma_start3A_3 = arith.constant 0 : i32
    %dma_start3A_4 = tpu.memref_slice %arg11[%dma_start3A, %dma_start3A_3] : memref<512x64xi32, #tpu.memory_space<vmem>> -> memref<128x64xi32, #tpu.memory_space<vmem>>
    %dma_start3A_5 = arith.constant 0 : i32
    %dma_start3A_6 = tpu.memref_slice %arg10[%dma_start3A_5] : memref<512xi32, #tpu.memory_space<vmem>> -> memref<128xi32, #tpu.memory_space<vmem>>
    %dma_start3A_7 = arith.constant 0 : i32
    %dma_start3A_8 = arith.constant 0 : i32
    %dma_start3A_9 = tpu.memref_slice %arg2[%dma_start3A_7, %dma_start3A_8] : memref<1024x64xi32, #tpu.memory_space<hbm>> -> memref<1024x64xi32, #tpu.memory_space<hbm>>
    tpu.enqueue_indirect_dma source(%dma_start3A_9 : memref<1024x64xi32, #tpu.memory_space<hbm>>) target(%dma_start3A_4 : memref<128x64xi32, #tpu.memory_space<vmem>>) offsets(%dma_start3A_6 : memref<128xi32, #tpu.memory_space<vmem>>) semaphore(%arg17 : memref<!tpu.dma_semaphore, #tpu.memory_space<semaphore_mem>>)
    %dma_start3A_10 = arith.constant 128 : i32
    %dma_start3A_11 = arith.constant 0 : i32
    %dma_start3A_12 = tpu.memref_slice %arg11[%dma_start3A_10, %dma_start3A_11] : memref<512x64xi32, #tpu.memory_space<vmem>> -> memref<128x64xi32, #tpu.memory_space<vmem>>
    %dma_start3A_13 = arith.constant 128 : i32
    %dma_start3A_14 = tpu.memref_slice %arg10[%dma_start3A_13] : memref<512xi32, #tpu.memory_space<vmem>> -> memref<128xi32, #tpu.memory_space<vmem>>
    %dma_start3A_15 = arith.constant 0 : i32
    %dma_start3A_16 = arith.constant 0 : i32
    %dma_start3A_17 = tpu.memref_slice %arg2[%dma_start3A_15, %dma_start3A_16] : memref<1024x64xi32, #tpu.memory_space<hbm>> -> memref<1024x64xi32, #tpu.memory_space<hbm>>
    tpu.enqueue_indirect_dma source(%dma_start3A_17 : memref<1024x64xi32, #tpu.memory_space<hbm>>) target(%dma_start3A_12 : memref<128x64xi32, #tpu.memory_space<vmem>>) offsets(%dma_start3A_14 : memref<128xi32, #tpu.memory_space<vmem>>) semaphore(%arg17 : memref<!tpu.dma_semaphore, #tpu.memory_space<semaphore_mem>>)
    %dma_start3A_18 = arith.constant 256 : i32
    %dma_start3A_19 = arith.constant 0 : i32
    %dma_start3A_20 = tpu.memref_slice %arg11[%dma_start3A_18, %dma_start3A_19] : memref<512x64xi32, #tpu.memory_space<vmem>> -> memref<128x64xi32, #tpu.memory_space<vmem>>
    %dma_start3A_21 = arith.constant 256 : i32
    %dma_start3A_22 = tpu.memref_slice %arg10[%dma_start3A_21] : memref<512xi32, #tpu.memory_space<vmem>> -> memref<128xi32, #tpu.memory_space<vmem>>
    %dma_start3A_23 = arith.constant 0 : i32
    %dma_start3A_24 = arith.constant 0 : i32
    %dma_start3A_25 = tpu.memref_slice %arg2[%dma_start3A_23, %dma_start3A_24] : memref<1024x64xi32, #tpu.memory_space<hbm>> -> memref<1024x64xi32, #tpu.memory_space<hbm>>
    tpu.enqueue_indirect_dma source(%dma_start3A_25 : memref<1024x64xi32, #tpu.memory_space<hbm>>) target(%dma_start3A_20 : memref<128x64xi32, #tpu.memory_space<vmem>>) offsets(%dma_start3A_22 : memref<128xi32, #tpu.memory_space<vmem>>) semaphore(%arg17 : memref<!tpu.dma_semaphore, #tpu.memory_space<semaphore_mem>>)
    %dma_start3A_26 = arith.constant 384 : i32
    %dma_start3A_27 = arith.constant 0 : i32
    %dma_start3A_28 = tpu.memref_slice %arg11[%dma_start3A_26, %dma_start3A_27] : memref<512x64xi32, #tpu.memory_space<vmem>> -> memref<128x64xi32, #tpu.memory_space<vmem>>
    %dma_start3A_29 = arith.constant 384 : i32
    %dma_start3A_30 = tpu.memref_slice %arg10[%dma_start3A_29] : memref<512xi32, #tpu.memory_space<vmem>> -> memref<128xi32, #tpu.memory_space<vmem>>
    %dma_start3A_31 = arith.constant 0 : i32
    %dma_start3A_32 = arith.constant 0 : i32
    %dma_start3A_33 = tpu.memref_slice %arg2[%dma_start3A_31, %dma_start3A_32] : memref<1024x64xi32, #tpu.memory_space<hbm>> -> memref<1024x64xi32, #tpu.memory_space<hbm>>
    tpu.enqueue_indirect_dma source(%dma_start3A_33 : memref<1024x64xi32, #tpu.memory_space<hbm>>) target(%dma_start3A_28 : memref<128x64xi32, #tpu.memory_space<vmem>>) offsets(%dma_start3A_30 : memref<128xi32, #tpu.memory_space<vmem>>) semaphore(%arg17 : memref<!tpu.dma_semaphore, #tpu.memory_space<semaphore_mem>>)
    tpu.enqueue_dma source(%arg3 : memref<192xi32, #tpu.memory_space<hbm>>) target(%arg12 : memref<192xi32, #tpu.memory_space<vmem>>) target_semaphore(%arg18 : memref<!tpu.dma_semaphore, #tpu.memory_space<semaphore_mem>>)
    %dma_start3A_34 = tpu.memref_slice %arg5[%mul3A_2] : memref<16384xi32, #tpu.memory_space<hbm>> -> memref<512xi32, #tpu.memory_space<hbm>>
    %dma_start3A_35 = tpu.memref_slice %arg5[%mul3A_2] : memref<16384xi32, #tpu.memory_space<hbm>> -> memref<512xi32, #tpu.memory_space<hbm>>
    tpu.enqueue_dma source(%dma_start3A_35 : memref<512xi32, #tpu.memory_space<hbm>>) target(%arg13 : memref<512xi32, #tpu.memory_space<vmem>>) target_semaphore(%arg18 : memref<!tpu.dma_semaphore, #tpu.memory_space<semaphore_mem>>)
    %dma_start3A_36 = tpu.memref_slice %arg6[%mul3A_2] : memref<16384xi32, #tpu.memory_space<hbm>> -> memref<512xi32, #tpu.memory_space<hbm>>
    %dma_start3A_37 = tpu.memref_slice %arg6[%mul3A_2] : memref<16384xi32, #tpu.memory_space<hbm>> -> memref<512xi32, #tpu.memory_space<hbm>>
    tpu.enqueue_dma source(%dma_start3A_37 : memref<512xi32, #tpu.memory_space<hbm>>) target(%arg14 : memref<512xi32, #tpu.memory_space<vmem>>) target_semaphore(%arg18 : memref<!tpu.dma_semaphore, #tpu.memory_space<semaphore_mem>>)
    %dma_start3A_38 = tpu.memref_slice %arg7[%mul3A_2] : memref<16384xi32, #tpu.memory_space<hbm>> -> memref<512xi32, #tpu.memory_space<hbm>>
    %dma_start3A_39 = tpu.memref_slice %arg7[%mul3A_2] : memref<16384xi32, #tpu.memory_space<hbm>> -> memref<512xi32, #tpu.memory_space<hbm>>
    tpu.enqueue_dma source(%dma_start3A_39 : memref<512xi32, #tpu.memory_space<hbm>>) target(%arg15 : memref<512xi32, #tpu.memory_space<vmem>>) target_semaphore(%arg18 : memref<!tpu.dma_semaphore, #tpu.memory_space<semaphore_mem>>)
    %dma_start3A_40 = tpu.memref_slice %arg8[%mul3A_2] : memref<16384xi32, #tpu.memory_space<hbm>> -> memref<512xi32, #tpu.memory_space<hbm>>
    %dma_start3A_41 = tpu.memref_slice %arg8[%mul3A_2] : memref<16384xi32, #tpu.memory_space<hbm>> -> memref<512xi32, #tpu.memory_space<hbm>>
    tpu.enqueue_dma source(%dma_start3A_41 : memref<512xi32, #tpu.memory_space<hbm>>) target(%arg16 : memref<512xi32, #tpu.memory_space<vmem>>) target_semaphore(%arg18 : memref<!tpu.dma_semaphore, #tpu.memory_space<semaphore_mem>>)
    tpu.wait_dma2 semaphore(%arg18 : memref<!tpu.dma_semaphore, #tpu.memory_space<semaphore_mem>>) src(%arg3 : memref<192xi32, #tpu.memory_space<hbm>>) dst(%arg12 : memref<192xi32, #tpu.memory_space<vmem>>)
    %dma_wait3A = tpu.memref_slice %arg5[%mul3A_2] : memref<16384xi32, #tpu.memory_space<hbm>> -> memref<512xi32, #tpu.memory_space<hbm>>
    %dma_wait3A_42 = tpu.memref_slice %arg5[%mul3A_2] : memref<16384xi32, #tpu.memory_space<hbm>> -> memref<512xi32, #tpu.memory_space<hbm>>
    tpu.wait_dma2 semaphore(%arg18 : memref<!tpu.dma_semaphore, #tpu.memory_space<semaphore_mem>>) src(%dma_wait3A_42 : memref<512xi32, #tpu.memory_space<hbm>>) dst(%arg13 : memref<512xi32, #tpu.memory_space<vmem>>)
    %dma_wait3A_43 = tpu.memref_slice %arg6[%mul3A_2] : memref<16384xi32, #tpu.memory_space<hbm>> -> memref<512xi32, #tpu.memory_space<hbm>>
    %dma_wait3A_44 = tpu.memref_slice %arg6[%mul3A_2] : memref<16384xi32, #tpu.memory_space<hbm>> -> memref<512xi32, #tpu.memory_space<hbm>>
    tpu.wait_dma2 semaphore(%arg18 : memref<!tpu.dma_semaphore, #tpu.memory_space<semaphore_mem>>) src(%dma_wait3A_44 : memref<512xi32, #tpu.memory_space<hbm>>) dst(%arg14 : memref<512xi32, #tpu.memory_space<vmem>>)
    %dma_wait3A_45 = tpu.memref_slice %arg7[%mul3A_2] : memref<16384xi32, #tpu.memory_space<hbm>> -> memref<512xi32, #tpu.memory_space<hbm>>
    %dma_wait3A_46 = tpu.memref_slice %arg7[%mul3A_2] : memref<16384xi32, #tpu.memory_space<hbm>> -> memref<512xi32, #tpu.memory_space<hbm>>
    tpu.wait_dma2 semaphore(%arg18 : memref<!tpu.dma_semaphore, #tpu.memory_space<semaphore_mem>>) src(%dma_wait3A_46 : memref<512xi32, #tpu.memory_space<hbm>>) dst(%arg15 : memref<512xi32, #tpu.memory_space<vmem>>)
    %dma_wait3A_47 = tpu.memref_slice %arg8[%mul3A_2] : memref<16384xi32, #tpu.memory_space<hbm>> -> memref<512xi32, #tpu.memory_space<hbm>>
    %dma_wait3A_48 = tpu.memref_slice %arg8[%mul3A_2] : memref<16384xi32, #tpu.memory_space<hbm>> -> memref<512xi32, #tpu.memory_space<hbm>>
    tpu.wait_dma2 semaphore(%arg18 : memref<!tpu.dma_semaphore, #tpu.memory_space<semaphore_mem>>) src(%dma_wait3A_48 : memref<512xi32, #tpu.memory_space<hbm>>) dst(%arg16 : memref<512xi32, #tpu.memory_space<vmem>>)
    %dma_wait3A_49 = arith.constant 0 : i32
    %dma_wait3A_50 = arith.constant 0 : i32
    %dma_wait3A_51 = tpu.memref_slice %arg11[%dma_wait3A_49, %dma_wait3A_50] : memref<512x64xi32, #tpu.memory_space<vmem>> -> memref<128x64xi32, #tpu.memory_space<vmem>>
    %dma_wait3A_52 = arith.constant 0 : i32
    %dma_wait3A_53 = tpu.memref_slice %arg10[%dma_wait3A_52] : memref<512xi32, #tpu.memory_space<vmem>> -> memref<128xi32, #tpu.memory_space<vmem>>
    %dma_wait3A_54 = arith.constant 0 : i32
    %dma_wait3A_55 = arith.constant 0 : i32
    %dma_wait3A_56 = tpu.memref_slice %arg2[%dma_wait3A_54, %dma_wait3A_55] : memref<1024x64xi32, #tpu.memory_space<hbm>> -> memref<1024x64xi32, #tpu.memory_space<hbm>>
    tpu.wait_indirect_dma semaphore(%arg17 : memref<!tpu.dma_semaphore, #tpu.memory_space<semaphore_mem>>) src(%dma_wait3A_56 : memref<1024x64xi32, #tpu.memory_space<hbm>>) dst(%dma_wait3A_51 : memref<128x64xi32, #tpu.memory_space<vmem>>)
    %scan3A = arith.constant 0 : i32
    %scan3A_57 = arith.constant 0 : i32
    %scan3A_58 = arith.constant 8 : i32
    %scan3A_59 = arith.addi %scan3A_57, %scan3A_58 : i32
    %scan3A_60 = arith.constant 1 : i32
    scf.for %scan3A_216 = %scan3A_57 to %scan3A_59 step %scan3A_60  : i32 {
      %mul3A_217 = arith.constant 16 : i32
      %mul3A_218 = arith.muli %scan3A_216, %mul3A_217 : i32
      %iota3A = tpu.iota {dimensions = array<i32: 0>} : vector<16xi32>
      %add3A_219 = vector.broadcast %mul3A_218 : i32 to vector<16xi32>
      %add3A_220 = arith.addi %add3A_219, %iota3A : vector<16xi32>
      %get3A = arith.index_cast %mul3A_218 : i32 to index
      %get3A_221 = tpu.vector_load %arg13[%get3A] {strides = array<i32>} : memref<512xi32, #tpu.memory_space<vmem>>, vector<16xi32>,
      %mul3A_222 = arith.constant 5 : i32
      %mul3A_223 = vector.broadcast %mul3A_222 : i32 to vector<16xi32>
      %mul3A_224 = arith.muli %get3A_221, %mul3A_223 : vector<16xi32>
      %add3A_225 = arith.constant 0 : i32
      %add3A_226 = vector.broadcast %add3A_225 : i32 to vector<16xi32>
      %add3A_227 = arith.addi %mul3A_224, %add3A_226 : vector<16xi32>
      %gather3A = tpu.vector_load_idx %arg12[%add3A_227] : memref<192xi32, #tpu.memory_space<vmem>>[vector<16xi32>], vector<16xi32>,
      %broadcast_in_dim3A = arith.constant 25 : i32
      %broadcast_in_dim3A_228 = vector.broadcast %broadcast_in_dim3A : i32 to vector<16xi32>
      tpu.vector_store_idx %arg11[%add3A_220, %broadcast_in_dim3A_228], %gather3A : memref<512x64xi32, #tpu.memory_space<vmem>>[vector<16xi32>, vector<16xi32>], vector<16xi32>,
      %add3A_229 = arith.constant 1 : i32
      %add3A_230 = vector.broadcast %add3A_229 : i32 to vector<16xi32>
      %add3A_231 = arith.addi %add3A_227, %add3A_230 : vector<16xi32>
      %gather3A_232 = tpu.vector_load_idx %arg12[%add3A_231] : memref<192xi32, #tpu.memory_space<vmem>>[vector<16xi32>], vector<16xi32>,
      %broadcast_in_dim3A_233 = arith.constant 26 : i32
      %broadcast_in_dim3A_234 = vector.broadcast %broadcast_in_dim3A_233 : i32 to vector<16xi32>
      tpu.vector_store_idx %arg11[%add3A_220, %broadcast_in_dim3A_234], %gather3A_232 : memref<512x64xi32, #tpu.memory_space<vmem>>[vector<16xi32>, vector<16xi32>], vector<16xi32>,
      %add3A_235 = arith.constant 2 : i32
      %add3A_236 = vector.broadcast %add3A_235 : i32 to vector<16xi32>
      %add3A_237 = arith.addi %add3A_227, %add3A_236 : vector<16xi32>
      %gather3A_238 = tpu.vector_load_idx %arg12[%add3A_237] : memref<192xi32, #tpu.memory_space<vmem>>[vector<16xi32>], vector<16xi32>,
      %broadcast_in_dim3A_239 = arith.constant 27 : i32
      %broadcast_in_dim3A_240 = vector.broadcast %broadcast_in_dim3A_239 : i32 to vector<16xi32>
      tpu.vector_store_idx %arg11[%add3A_220, %broadcast_in_dim3A_240], %gather3A_238 : memref<512x64xi32, #tpu.memory_space<vmem>>[vector<16xi32>, vector<16xi32>], vector<16xi32>,
      %add3A_241 = arith.constant 3 : i32
      %add3A_242 = vector.broadcast %add3A_241 : i32 to vector<16xi32>
      %add3A_243 = arith.addi %add3A_227, %add3A_242 : vector<16xi32>
      %gather3A_244 = tpu.vector_load_idx %arg12[%add3A_243] : memref<192xi32, #tpu.memory_space<vmem>>[vector<16xi32>], vector<16xi32>,
      %broadcast_in_dim3A_245 = arith.constant 28 : i32
      %broadcast_in_dim3A_246 = vector.broadcast %broadcast_in_dim3A_245 : i32 to vector<16xi32>
      tpu.vector_store_idx %arg11[%add3A_220, %broadcast_in_dim3A_246], %gather3A_244 : memref<512x64xi32, #tpu.memory_space<vmem>>[vector<16xi32>, vector<16xi32>], vector<16xi32>,
      %add3A_247 = arith.constant 4 : i32
      %add3A_248 = vector.broadcast %add3A_247 : i32 to vector<16xi32>
      %add3A_249 = arith.addi %add3A_227, %add3A_248 : vector<16xi32>
      %gather3A_250 = tpu.vector_load_idx %arg12[%add3A_249] : memref<192xi32, #tpu.memory_space<vmem>>[vector<16xi32>], vector<16xi32>,
      %broadcast_in_dim3A_251 = arith.constant 29 : i32
      %broadcast_in_dim3A_252 = vector.broadcast %broadcast_in_dim3A_251 : i32 to vector<16xi32>
      tpu.vector_store_idx %arg11[%add3A_220, %broadcast_in_dim3A_252], %gather3A_250 : memref<512x64xi32, #tpu.memory_space<vmem>>[vector<16xi32>, vector<16xi32>], vector<16xi32>,
      %get3A_253 = arith.index_cast %mul3A_218 : i32 to index
      %get3A_254 = tpu.vector_load %arg14[%get3A_253] {strides = array<i32>} : memref<512xi32, #tpu.memory_space<vmem>>, vector<16xi32>,
      %mul3A_255 = arith.constant 3 : i32
      %mul3A_256 = vector.broadcast %mul3A_255 : i32 to vector<16xi32>
      %mul3A_257 = arith.muli %get3A_254, %mul3A_256 : vector<16xi32>
      %add3A_258 = arith.constant 120 : i32
      %add3A_259 = vector.broadcast %add3A_258 : i32 to vector<16xi32>
      %add3A_260 = arith.addi %mul3A_257, %add3A_259 : vector<16xi32>
      %gather3A_261 = tpu.vector_load_idx %arg12[%add3A_260] : memref<192xi32, #tpu.memory_space<vmem>>[vector<16xi32>], vector<16xi32>,
      %broadcast_in_dim3A_262 = arith.constant 30 : i32
      %broadcast_in_dim3A_263 = vector.broadcast %broadcast_in_dim3A_262 : i32 to vector<16xi32>
      tpu.vector_store_idx %arg11[%add3A_220, %broadcast_in_dim3A_263], %gather3A_261 : memref<512x64xi32, #tpu.memory_space<vmem>>[vector<16xi32>, vector<16xi32>], vector<16xi32>,
      %add3A_264 = arith.constant 1 : i32
      %add3A_265 = vector.broadcast %add3A_264 : i32 to vector<16xi32>
      %add3A_266 = arith.addi %add3A_260, %add3A_265 : vector<16xi32>
      %gather3A_267 = tpu.vector_load_idx %arg12[%add3A_266] : memref<192xi32, #tpu.memory_space<vmem>>[vector<16xi32>], vector<16xi32>,
      %broadcast_in_dim3A_268 = arith.constant 31 : i32
      %broadcast_in_dim3A_269 = vector.broadcast %broadcast_in_dim3A_268 : i32 to vector<16xi32>
      tpu.vector_store_idx %arg11[%add3A_220, %broadcast_in_dim3A_269], %gather3A_267 : memref<512x64xi32, #tpu.memory_space<vmem>>[vector<16xi32>, vector<16xi32>], vector<16xi32>,
      %add3A_270 = arith.constant 2 : i32
      %add3A_271 = vector.broadcast %add3A_270 : i32 to vector<16xi32>
      %add3A_272 = arith.addi %add3A_260, %add3A_271 : vector<16xi32>
      %gather3A_273 = tpu.vector_load_idx %arg12[%add3A_272] : memref<192xi32, #tpu.memory_space<vmem>>[vector<16xi32>], vector<16xi32>,
      %broadcast_in_dim3A_274 = arith.constant 32 : i32
      %broadcast_in_dim3A_275 = vector.broadcast %broadcast_in_dim3A_274 : i32 to vector<16xi32>
      tpu.vector_store_idx %arg11[%add3A_220, %broadcast_in_dim3A_275], %gather3A_273 : memref<512x64xi32, #tpu.memory_space<vmem>>[vector<16xi32>, vector<16xi32>], vector<16xi32>,
      %get3A_276 = arith.index_cast %mul3A_218 : i32 to index
      %get3A_277 = tpu.vector_load %arg15[%get3A_276] {strides = array<i32>} : memref<512xi32, #tpu.memory_space<vmem>>, vector<16xi32>,
      %mul3A_278 = arith.constant 2 : i32
      %mul3A_279 = vector.broadcast %mul3A_278 : i32 to vector<16xi32>
      %mul3A_280 = arith.muli %get3A_277, %mul3A_279 : vector<16xi32>
      %add3A_281 = arith.constant 156 : i32
      %add3A_282 = vector.broadcast %add3A_281 : i32 to vector<16xi32>
      %add3A_283 = arith.addi %mul3A_280, %add3A_282 : vector<16xi32>
      %gather3A_284 = tpu.vector_load_idx %arg12[%add3A_283] : memref<192xi32, #tpu.memory_space<vmem>>[vector<16xi32>], vector<16xi32>,
      %broadcast_in_dim3A_285 = arith.constant 33 : i32
      %broadcast_in_dim3A_286 = vector.broadcast %broadcast_in_dim3A_285 : i32 to vector<16xi32>
      tpu.vector_store_idx %arg11[%add3A_220, %broadcast_in_dim3A_286], %gather3A_284 : memref<512x64xi32, #tpu.memory_space<vmem>>[vector<16xi32>, vector<16xi32>], vector<16xi32>,
      %add3A_287 = arith.constant 1 : i32
      %add3A_288 = vector.broadcast %add3A_287 : i32 to vector<16xi32>
      %add3A_289 = arith.addi %add3A_283, %add3A_288 : vector<16xi32>
      %gather3A_290 = tpu.vector_load_idx %arg12[%add3A_289] : memref<192xi32, #tpu.memory_space<vmem>>[vector<16xi32>], vector<16xi32>,
      %broadcast_in_dim3A_291 = arith.constant 34 : i32
      %broadcast_in_dim3A_292 = vector.broadcast %broadcast_in_dim3A_291 : i32 to vector<16xi32>
      tpu.vector_store_idx %arg11[%add3A_220, %broadcast_in_dim3A_292], %gather3A_290 : memref<512x64xi32, #tpu.memory_space<vmem>>[vector<16xi32>, vector<16xi32>], vector<16xi32>,
      %get3A_293 = arith.index_cast %mul3A_218 : i32 to index
      %get3A_294 = tpu.vector_load %arg16[%get3A_293] {strides = array<i32>} : memref<512xi32, #tpu.memory_space<vmem>>, vector<16xi32>,
      %add3A_295 = arith.constant 170 : i32
      %add3A_296 = vector.broadcast %add3A_295 : i32 to vector<16xi32>
      %add3A_297 = arith.addi %get3A_294, %add3A_296 : vector<16xi32>
      %gather3A_298 = tpu.vector_load_idx %arg12[%add3A_297] : memref<192xi32, #tpu.memory_space<vmem>>[vector<16xi32>], vector<16xi32>,
      %broadcast_in_dim3A_299 = arith.constant 35 : i32
      %broadcast_in_dim3A_300 = vector.broadcast %broadcast_in_dim3A_299 : i32 to vector<16xi32>
      tpu.vector_store_idx %arg11[%add3A_220, %broadcast_in_dim3A_300], %gather3A_298 : memref<512x64xi32, #tpu.memory_space<vmem>>[vector<16xi32>, vector<16xi32>], vector<16xi32>,
    }
    %scan3A_61 = arith.constant 8 : i32
    %dma_start3A_62 = arith.constant 0 : i32
    %dma_start3A_63 = arith.constant 0 : i32
    %dma_start3A_64 = tpu.memref_slice %arg11[%dma_start3A_62, %dma_start3A_63] : memref<512x64xi32, #tpu.memory_space<vmem>> -> memref<128x64xi32, #tpu.memory_space<vmem>>
    %dma_start3A_65 = arith.constant 0 : i32
    %dma_start3A_66 = arith.constant 0 : i32
    %dma_start3A_67 = tpu.memref_slice %arg9[%add3A, %dma_start3A_65, %dma_start3A_66] : memref<32x512x64xi32, #tpu.memory_space<hbm>> -> memref<1x128x64xi32, #tpu.memory_space<hbm>>
    %dma_start3A_68 = tpu.memref_squeeze %dma_start3A_67 : memref<1x128x64xi32, #tpu.memory_space<hbm>> -> memref<128x64xi32, #tpu.memory_space<hbm>>
    %dma_start3A_69 = arith.constant 0 : i32
    %dma_start3A_70 = arith.constant 0 : i32
    %dma_start3A_71 = tpu.memref_slice %arg9[%add3A, %dma_start3A_69, %dma_start3A_70] : memref<32x512x64xi32, #tpu.memory_space<hbm>> -> memref<1x128x64xi32, #tpu.memory_space<hbm>>
    %dma_start3A_72 = tpu.memref_squeeze %dma_start3A_71 : memref<1x128x64xi32, #tpu.memory_space<hbm>> -> memref<128x64xi32, #tpu.memory_space<hbm>>
    %dma_start3A_73 = arith.constant 0 : i32
    %dma_start3A_74 = arith.constant 0 : i32
    %dma_start3A_75 = tpu.memref_slice %arg11[%dma_start3A_73, %dma_start3A_74] : memref<512x64xi32, #tpu.memory_space<vmem>> -> memref<128x64xi32, #tpu.memory_space<vmem>>
    tpu.enqueue_dma source(%dma_start3A_75 : memref<128x64xi32, #tpu.memory_space<vmem>>) target(%dma_start3A_72 : memref<128x64xi32, #tpu.memory_space<hbm>>) target_semaphore(%arg19 : memref<!tpu.dma_semaphore, #tpu.memory_space<semaphore_mem>>)
    %dma_wait3A_76 = arith.constant 128 : i32
    %dma_wait3A_77 = arith.constant 0 : i32
    %dma_wait3A_78 = tpu.memref_slice %arg11[%dma_wait3A_76, %dma_wait3A_77] : memref<512x64xi32, #tpu.memory_space<vmem>> -> memref<128x64xi32, #tpu.memory_space<vmem>>
    %dma_wait3A_79 = arith.constant 128 : i32
    %dma_wait3A_80 = tpu.memref_slice %arg10[%dma_wait3A_79] : memref<512xi32, #tpu.memory_space<vmem>> -> memref<128xi32, #tpu.memory_space<vmem>>
    %dma_wait3A_81 = arith.constant 0 : i32
    %dma_wait3A_82 = arith.constant 0 : i32
    %dma_wait3A_83 = tpu.memref_slice %arg2[%dma_wait3A_81, %dma_wait3A_82] : memref<1024x64xi32, #tpu.memory_space<hbm>> -> memref<1024x64xi32, #tpu.memory_space<hbm>>
    tpu.wait_indirect_dma semaphore(%arg17 : memref<!tpu.dma_semaphore, #tpu.memory_space<semaphore_mem>>) src(%dma_wait3A_83 : memref<1024x64xi32, #tpu.memory_space<hbm>>) dst(%dma_wait3A_78 : memref<128x64xi32, #tpu.memory_space<vmem>>)
    %scan3A_84 = arith.constant 0 : i32
    %scan3A_85 = arith.constant 8 : i32
    %scan3A_86 = arith.constant 8 : i32
    %scan3A_87 = arith.addi %scan3A_85, %scan3A_86 : i32
    %scan3A_88 = arith.constant 1 : i32
    scf.for %scan3A_216 = %scan3A_85 to %scan3A_87 step %scan3A_88  : i32 {
      %mul3A_217 = arith.constant 16 : i32
      %mul3A_218 = arith.muli %scan3A_216, %mul3A_217 : i32
      %iota3A = tpu.iota {dimensions = array<i32: 0>} : vector<16xi32>
      %add3A_219 = vector.broadcast %mul3A_218 : i32 to vector<16xi32>
      %add3A_220 = arith.addi %add3A_219, %iota3A : vector<16xi32>
      %get3A = arith.index_cast %mul3A_218 : i32 to index
      %get3A_221 = tpu.vector_load %arg13[%get3A] {strides = array<i32>} : memref<512xi32, #tpu.memory_space<vmem>>, vector<16xi32>,
      %mul3A_222 = arith.constant 5 : i32
      %mul3A_223 = vector.broadcast %mul3A_222 : i32 to vector<16xi32>
      %mul3A_224 = arith.muli %get3A_221, %mul3A_223 : vector<16xi32>
      %add3A_225 = arith.constant 0 : i32
      %add3A_226 = vector.broadcast %add3A_225 : i32 to vector<16xi32>
      %add3A_227 = arith.addi %mul3A_224, %add3A_226 : vector<16xi32>
      %gather3A = tpu.vector_load_idx %arg12[%add3A_227] : memref<192xi32, #tpu.memory_space<vmem>>[vector<16xi32>], vector<16xi32>,
      %broadcast_in_dim3A = arith.constant 25 : i32
      %broadcast_in_dim3A_228 = vector.broadcast %broadcast_in_dim3A : i32 to vector<16xi32>
      tpu.vector_store_idx %arg11[%add3A_220, %broadcast_in_dim3A_228], %gather3A : memref<512x64xi32, #tpu.memory_space<vmem>>[vector<16xi32>, vector<16xi32>], vector<16xi32>,
      %add3A_229 = arith.constant 1 : i32
      %add3A_230 = vector.broadcast %add3A_229 : i32 to vector<16xi32>
      %add3A_231 = arith.addi %add3A_227, %add3A_230 : vector<16xi32>
      %gather3A_232 = tpu.vector_load_idx %arg12[%add3A_231] : memref<192xi32, #tpu.memory_space<vmem>>[vector<16xi32>], vector<16xi32>,
      %broadcast_in_dim3A_233 = arith.constant 26 : i32
      %broadcast_in_dim3A_234 = vector.broadcast %broadcast_in_dim3A_233 : i32 to vector<16xi32>
      tpu.vector_store_idx %arg11[%add3A_220, %broadcast_in_dim3A_234], %gather3A_232 : memref<512x64xi32, #tpu.memory_space<vmem>>[vector<16xi32>, vector<16xi32>], vector<16xi32>,
      %add3A_235 = arith.constant 2 : i32
      %add3A_236 = vector.broadcast %add3A_235 : i32 to vector<16xi32>
      %add3A_237 = arith.addi %add3A_227, %add3A_236 : vector<16xi32>
      %gather3A_238 = tpu.vector_load_idx %arg12[%add3A_237] : memref<192xi32, #tpu.memory_space<vmem>>[vector<16xi32>], vector<16xi32>,
      %broadcast_in_dim3A_239 = arith.constant 27 : i32
      %broadcast_in_dim3A_240 = vector.broadcast %broadcast_in_dim3A_239 : i32 to vector<16xi32>
      tpu.vector_store_idx %arg11[%add3A_220, %broadcast_in_dim3A_240], %gather3A_238 : memref<512x64xi32, #tpu.memory_space<vmem>>[vector<16xi32>, vector<16xi32>], vector<16xi32>,
      %add3A_241 = arith.constant 3 : i32
      %add3A_242 = vector.broadcast %add3A_241 : i32 to vector<16xi32>
      %add3A_243 = arith.addi %add3A_227, %add3A_242 : vector<16xi32>
      %gather3A_244 = tpu.vector_load_idx %arg12[%add3A_243] : memref<192xi32, #tpu.memory_space<vmem>>[vector<16xi32>], vector<16xi32>,
      %broadcast_in_dim3A_245 = arith.constant 28 : i32
      %broadcast_in_dim3A_246 = vector.broadcast %broadcast_in_dim3A_245 : i32 to vector<16xi32>
      tpu.vector_store_idx %arg11[%add3A_220, %broadcast_in_dim3A_246], %gather3A_244 : memref<512x64xi32, #tpu.memory_space<vmem>>[vector<16xi32>, vector<16xi32>], vector<16xi32>,
      %add3A_247 = arith.constant 4 : i32
      %add3A_248 = vector.broadcast %add3A_247 : i32 to vector<16xi32>
      %add3A_249 = arith.addi %add3A_227, %add3A_248 : vector<16xi32>
      %gather3A_250 = tpu.vector_load_idx %arg12[%add3A_249] : memref<192xi32, #tpu.memory_space<vmem>>[vector<16xi32>], vector<16xi32>,
      %broadcast_in_dim3A_251 = arith.constant 29 : i32
      %broadcast_in_dim3A_252 = vector.broadcast %broadcast_in_dim3A_251 : i32 to vector<16xi32>
      tpu.vector_store_idx %arg11[%add3A_220, %broadcast_in_dim3A_252], %gather3A_250 : memref<512x64xi32, #tpu.memory_space<vmem>>[vector<16xi32>, vector<16xi32>], vector<16xi32>,
      %get3A_253 = arith.index_cast %mul3A_218 : i32 to index
      %get3A_254 = tpu.vector_load %arg14[%get3A_253] {strides = array<i32>} : memref<512xi32, #tpu.memory_space<vmem>>, vector<16xi32>,
      %mul3A_255 = arith.constant 3 : i32
      %mul3A_256 = vector.broadcast %mul3A_255 : i32 to vector<16xi32>
      %mul3A_257 = arith.muli %get3A_254, %mul3A_256 : vector<16xi32>
      %add3A_258 = arith.constant 120 : i32
      %add3A_259 = vector.broadcast %add3A_258 : i32 to vector<16xi32>
      %add3A_260 = arith.addi %mul3A_257, %add3A_259 : vector<16xi32>
      %gather3A_261 = tpu.vector_load_idx %arg12[%add3A_260] : memref<192xi32, #tpu.memory_space<vmem>>[vector<16xi32>], vector<16xi32>,
      %broadcast_in_dim3A_262 = arith.constant 30 : i32
      %broadcast_in_dim3A_263 = vector.broadcast %broadcast_in_dim3A_262 : i32 to vector<16xi32>
      tpu.vector_store_idx %arg11[%add3A_220, %broadcast_in_dim3A_263], %gather3A_261 : memref<512x64xi32, #tpu.memory_space<vmem>>[vector<16xi32>, vector<16xi32>], vector<16xi32>,
      %add3A_264 = arith.constant 1 : i32
      %add3A_265 = vector.broadcast %add3A_264 : i32 to vector<16xi32>
      %add3A_266 = arith.addi %add3A_260, %add3A_265 : vector<16xi32>
      %gather3A_267 = tpu.vector_load_idx %arg12[%add3A_266] : memref<192xi32, #tpu.memory_space<vmem>>[vector<16xi32>], vector<16xi32>,
      %broadcast_in_dim3A_268 = arith.constant 31 : i32
      %broadcast_in_dim3A_269 = vector.broadcast %broadcast_in_dim3A_268 : i32 to vector<16xi32>
      tpu.vector_store_idx %arg11[%add3A_220, %broadcast_in_dim3A_269], %gather3A_267 : memref<512x64xi32, #tpu.memory_space<vmem>>[vector<16xi32>, vector<16xi32>], vector<16xi32>,
      %add3A_270 = arith.constant 2 : i32
      %add3A_271 = vector.broadcast %add3A_270 : i32 to vector<16xi32>
      %add3A_272 = arith.addi %add3A_260, %add3A_271 : vector<16xi32>
      %gather3A_273 = tpu.vector_load_idx %arg12[%add3A_272] : memref<192xi32, #tpu.memory_space<vmem>>[vector<16xi32>], vector<16xi32>,
      %broadcast_in_dim3A_274 = arith.constant 32 : i32
      %broadcast_in_dim3A_275 = vector.broadcast %broadcast_in_dim3A_274 : i32 to vector<16xi32>
      tpu.vector_store_idx %arg11[%add3A_220, %broadcast_in_dim3A_275], %gather3A_273 : memref<512x64xi32, #tpu.memory_space<vmem>>[vector<16xi32>, vector<16xi32>], vector<16xi32>,
      %get3A_276 = arith.index_cast %mul3A_218 : i32 to index
      %get3A_277 = tpu.vector_load %arg15[%get3A_276] {strides = array<i32>} : memref<512xi32, #tpu.memory_space<vmem>>, vector<16xi32>,
      %mul3A_278 = arith.constant 2 : i32
      %mul3A_279 = vector.broadcast %mul3A_278 : i32 to vector<16xi32>
      %mul3A_280 = arith.muli %get3A_277, %mul3A_279 : vector<16xi32>
      %add3A_281 = arith.constant 156 : i32
      %add3A_282 = vector.broadcast %add3A_281 : i32 to vector<16xi32>
      %add3A_283 = arith.addi %mul3A_280, %add3A_282 : vector<16xi32>
      %gather3A_284 = tpu.vector_load_idx %arg12[%add3A_283] : memref<192xi32, #tpu.memory_space<vmem>>[vector<16xi32>], vector<16xi32>,
      %broadcast_in_dim3A_285 = arith.constant 33 : i32
      %broadcast_in_dim3A_286 = vector.broadcast %broadcast_in_dim3A_285 : i32 to vector<16xi32>
      tpu.vector_store_idx %arg11[%add3A_220, %broadcast_in_dim3A_286], %gather3A_284 : memref<512x64xi32, #tpu.memory_space<vmem>>[vector<16xi32>, vector<16xi32>], vector<16xi32>,
      %add3A_287 = arith.constant 1 : i32
      %add3A_288 = vector.broadcast %add3A_287 : i32 to vector<16xi32>
      %add3A_289 = arith.addi %add3A_283, %add3A_288 : vector<16xi32>
      %gather3A_290 = tpu.vector_load_idx %arg12[%add3A_289] : memref<192xi32, #tpu.memory_space<vmem>>[vector<16xi32>], vector<16xi32>,
      %broadcast_in_dim3A_291 = arith.constant 34 : i32
      %broadcast_in_dim3A_292 = vector.broadcast %broadcast_in_dim3A_291 : i32 to vector<16xi32>
      tpu.vector_store_idx %arg11[%add3A_220, %broadcast_in_dim3A_292], %gather3A_290 : memref<512x64xi32, #tpu.memory_space<vmem>>[vector<16xi32>, vector<16xi32>], vector<16xi32>,
      %get3A_293 = arith.index_cast %mul3A_218 : i32 to index
      %get3A_294 = tpu.vector_load %arg16[%get3A_293] {strides = array<i32>} : memref<512xi32, #tpu.memory_space<vmem>>, vector<16xi32>,
      %add3A_295 = arith.constant 170 : i32
      %add3A_296 = vector.broadcast %add3A_295 : i32 to vector<16xi32>
      %add3A_297 = arith.addi %get3A_294, %add3A_296 : vector<16xi32>
      %gather3A_298 = tpu.vector_load_idx %arg12[%add3A_297] : memref<192xi32, #tpu.memory_space<vmem>>[vector<16xi32>], vector<16xi32>,
      %broadcast_in_dim3A_299 = arith.constant 35 : i32
      %broadcast_in_dim3A_300 = vector.broadcast %broadcast_in_dim3A_299 : i32 to vector<16xi32>
      tpu.vector_store_idx %arg11[%add3A_220, %broadcast_in_dim3A_300], %gather3A_298 : memref<512x64xi32, #tpu.memory_space<vmem>>[vector<16xi32>, vector<16xi32>], vector<16xi32>,
    }
    %scan3A_89 = arith.constant 8 : i32
    %dma_start3A_90 = arith.constant 128 : i32
    %dma_start3A_91 = arith.constant 0 : i32
    %dma_start3A_92 = tpu.memref_slice %arg11[%dma_start3A_90, %dma_start3A_91] : memref<512x64xi32, #tpu.memory_space<vmem>> -> memref<128x64xi32, #tpu.memory_space<vmem>>
    %dma_start3A_93 = arith.constant 128 : i32
    %dma_start3A_94 = arith.constant 0 : i32
    %dma_start3A_95 = tpu.memref_slice %arg9[%add3A, %dma_start3A_93, %dma_start3A_94] : memref<32x512x64xi32, #tpu.memory_space<hbm>> -> memref<1x128x64xi32, #tpu.memory_space<hbm>>
    %dma_start3A_96 = tpu.memref_squeeze %dma_start3A_95 : memref<1x128x64xi32, #tpu.memory_space<hbm>> -> memref<128x64xi32, #tpu.memory_space<hbm>>
    %dma_start3A_97 = arith.constant 128 : i32
    %dma_start3A_98 = arith.constant 0 : i32
    %dma_start3A_99 = tpu.memref_slice %arg9[%add3A, %dma_start3A_97, %dma_start3A_98] : memref<32x512x64xi32, #tpu.memory_space<hbm>> -> memref<1x128x64xi32, #tpu.memory_space<hbm>>
    %dma_start3A_100 = tpu.memref_squeeze %dma_start3A_99 : memref<1x128x64xi32, #tpu.memory_space<hbm>> -> memref<128x64xi32, #tpu.memory_space<hbm>>
    %dma_start3A_101 = arith.constant 128 : i32
    %dma_start3A_102 = arith.constant 0 : i32
    %dma_start3A_103 = tpu.memref_slice %arg11[%dma_start3A_101, %dma_start3A_102] : memref<512x64xi32, #tpu.memory_space<vmem>> -> memref<128x64xi32, #tpu.memory_space<vmem>>
    tpu.enqueue_dma source(%dma_start3A_103 : memref<128x64xi32, #tpu.memory_space<vmem>>) target(%dma_start3A_100 : memref<128x64xi32, #tpu.memory_space<hbm>>) target_semaphore(%arg19 : memref<!tpu.dma_semaphore, #tpu.memory_space<semaphore_mem>>)
    %dma_wait3A_104 = arith.constant 256 : i32
    %dma_wait3A_105 = arith.constant 0 : i32
    %dma_wait3A_106 = tpu.memref_slice %arg11[%dma_wait3A_104, %dma_wait3A_105] : memref<512x64xi32, #tpu.memory_space<vmem>> -> memref<128x64xi32, #tpu.memory_space<vmem>>
    %dma_wait3A_107 = arith.constant 256 : i32
    %dma_wait3A_108 = tpu.memref_slice %arg10[%dma_wait3A_107] : memref<512xi32, #tpu.memory_space<vmem>> -> memref<128xi32, #tpu.memory_space<vmem>>
    %dma_wait3A_109 = arith.constant 0 : i32
    %dma_wait3A_110 = arith.constant 0 : i32
    %dma_wait3A_111 = tpu.memref_slice %arg2[%dma_wait3A_109, %dma_wait3A_110] : memref<1024x64xi32, #tpu.memory_space<hbm>> -> memref<1024x64xi32, #tpu.memory_space<hbm>>
    tpu.wait_indirect_dma semaphore(%arg17 : memref<!tpu.dma_semaphore, #tpu.memory_space<semaphore_mem>>) src(%dma_wait3A_111 : memref<1024x64xi32, #tpu.memory_space<hbm>>) dst(%dma_wait3A_106 : memref<128x64xi32, #tpu.memory_space<vmem>>)
    %scan3A_112 = arith.constant 0 : i32
    %scan3A_113 = arith.constant 16 : i32
    %scan3A_114 = arith.constant 8 : i32
    %scan3A_115 = arith.addi %scan3A_113, %scan3A_114 : i32
    %scan3A_116 = arith.constant 1 : i32
    scf.for %scan3A_216 = %scan3A_113 to %scan3A_115 step %scan3A_116  : i32 {
      %mul3A_217 = arith.constant 16 : i32
      %mul3A_218 = arith.muli %scan3A_216, %mul3A_217 : i32
      %iota3A = tpu.iota {dimensions = array<i32: 0>} : vector<16xi32>
      %add3A_219 = vector.broadcast %mul3A_218 : i32 to vector<16xi32>
      %add3A_220 = arith.addi %add3A_219, %iota3A : vector<16xi32>
      %get3A = arith.index_cast %mul3A_218 : i32 to index
      %get3A_221 = tpu.vector_load %arg13[%get3A] {strides = array<i32>} : memref<512xi32, #tpu.memory_space<vmem>>, vector<16xi32>,
      %mul3A_222 = arith.constant 5 : i32
      %mul3A_223 = vector.broadcast %mul3A_222 : i32 to vector<16xi32>
      %mul3A_224 = arith.muli %get3A_221, %mul3A_223 : vector<16xi32>
      %add3A_225 = arith.constant 0 : i32
      %add3A_226 = vector.broadcast %add3A_225 : i32 to vector<16xi32>
      %add3A_227 = arith.addi %mul3A_224, %add3A_226 : vector<16xi32>
      %gather3A = tpu.vector_load_idx %arg12[%add3A_227] : memref<192xi32, #tpu.memory_space<vmem>>[vector<16xi32>], vector<16xi32>,
      %broadcast_in_dim3A = arith.constant 25 : i32
      %broadcast_in_dim3A_228 = vector.broadcast %broadcast_in_dim3A : i32 to vector<16xi32>
      tpu.vector_store_idx %arg11[%add3A_220, %broadcast_in_dim3A_228], %gather3A : memref<512x64xi32, #tpu.memory_space<vmem>>[vector<16xi32>, vector<16xi32>], vector<16xi32>,
      %add3A_229 = arith.constant 1 : i32
      %add3A_230 = vector.broadcast %add3A_229 : i32 to vector<16xi32>
      %add3A_231 = arith.addi %add3A_227, %add3A_230 : vector<16xi32>
      %gather3A_232 = tpu.vector_load_idx %arg12[%add3A_231] : memref<192xi32, #tpu.memory_space<vmem>>[vector<16xi32>], vector<16xi32>,
      %broadcast_in_dim3A_233 = arith.constant 26 : i32
      %broadcast_in_dim3A_234 = vector.broadcast %broadcast_in_dim3A_233 : i32 to vector<16xi32>
      tpu.vector_store_idx %arg11[%add3A_220, %broadcast_in_dim3A_234], %gather3A_232 : memref<512x64xi32, #tpu.memory_space<vmem>>[vector<16xi32>, vector<16xi32>], vector<16xi32>,
      %add3A_235 = arith.constant 2 : i32
      %add3A_236 = vector.broadcast %add3A_235 : i32 to vector<16xi32>
      %add3A_237 = arith.addi %add3A_227, %add3A_236 : vector<16xi32>
      %gather3A_238 = tpu.vector_load_idx %arg12[%add3A_237] : memref<192xi32, #tpu.memory_space<vmem>>[vector<16xi32>], vector<16xi32>,
      %broadcast_in_dim3A_239 = arith.constant 27 : i32
      %broadcast_in_dim3A_240 = vector.broadcast %broadcast_in_dim3A_239 : i32 to vector<16xi32>
      tpu.vector_store_idx %arg11[%add3A_220, %broadcast_in_dim3A_240], %gather3A_238 : memref<512x64xi32, #tpu.memory_space<vmem>>[vector<16xi32>, vector<16xi32>], vector<16xi32>,
      %add3A_241 = arith.constant 3 : i32
      %add3A_242 = vector.broadcast %add3A_241 : i32 to vector<16xi32>
      %add3A_243 = arith.addi %add3A_227, %add3A_242 : vector<16xi32>
      %gather3A_244 = tpu.vector_load_idx %arg12[%add3A_243] : memref<192xi32, #tpu.memory_space<vmem>>[vector<16xi32>], vector<16xi32>,
      %broadcast_in_dim3A_245 = arith.constant 28 : i32
      %broadcast_in_dim3A_246 = vector.broadcast %broadcast_in_dim3A_245 : i32 to vector<16xi32>
      tpu.vector_store_idx %arg11[%add3A_220, %broadcast_in_dim3A_246], %gather3A_244 : memref<512x64xi32, #tpu.memory_space<vmem>>[vector<16xi32>, vector<16xi32>], vector<16xi32>,
      %add3A_247 = arith.constant 4 : i32
      %add3A_248 = vector.broadcast %add3A_247 : i32 to vector<16xi32>
      %add3A_249 = arith.addi %add3A_227, %add3A_248 : vector<16xi32>
      %gather3A_250 = tpu.vector_load_idx %arg12[%add3A_249] : memref<192xi32, #tpu.memory_space<vmem>>[vector<16xi32>], vector<16xi32>,
      %broadcast_in_dim3A_251 = arith.constant 29 : i32
      %broadcast_in_dim3A_252 = vector.broadcast %broadcast_in_dim3A_251 : i32 to vector<16xi32>
      tpu.vector_store_idx %arg11[%add3A_220, %broadcast_in_dim3A_252], %gather3A_250 : memref<512x64xi32, #tpu.memory_space<vmem>>[vector<16xi32>, vector<16xi32>], vector<16xi32>,
      %get3A_253 = arith.index_cast %mul3A_218 : i32 to index
      %get3A_254 = tpu.vector_load %arg14[%get3A_253] {strides = array<i32>} : memref<512xi32, #tpu.memory_space<vmem>>, vector<16xi32>,
      %mul3A_255 = arith.constant 3 : i32
      %mul3A_256 = vector.broadcast %mul3A_255 : i32 to vector<16xi32>
      %mul3A_257 = arith.muli %get3A_254, %mul3A_256 : vector<16xi32>
      %add3A_258 = arith.constant 120 : i32
      %add3A_259 = vector.broadcast %add3A_258 : i32 to vector<16xi32>
      %add3A_260 = arith.addi %mul3A_257, %add3A_259 : vector<16xi32>
      %gather3A_261 = tpu.vector_load_idx %arg12[%add3A_260] : memref<192xi32, #tpu.memory_space<vmem>>[vector<16xi32>], vector<16xi32>,
      %broadcast_in_dim3A_262 = arith.constant 30 : i32
      %broadcast_in_dim3A_263 = vector.broadcast %broadcast_in_dim3A_262 : i32 to vector<16xi32>
      tpu.vector_store_idx %arg11[%add3A_220, %broadcast_in_dim3A_263], %gather3A_261 : memref<512x64xi32, #tpu.memory_space<vmem>>[vector<16xi32>, vector<16xi32>], vector<16xi32>,
      %add3A_264 = arith.constant 1 : i32
      %add3A_265 = vector.broadcast %add3A_264 : i32 to vector<16xi32>
      %add3A_266 = arith.addi %add3A_260, %add3A_265 : vector<16xi32>
      %gather3A_267 = tpu.vector_load_idx %arg12[%add3A_266] : memref<192xi32, #tpu.memory_space<vmem>>[vector<16xi32>], vector<16xi32>,
      %broadcast_in_dim3A_268 = arith.constant 31 : i32
      %broadcast_in_dim3A_269 = vector.broadcast %broadcast_in_dim3A_268 : i32 to vector<16xi32>
      tpu.vector_store_idx %arg11[%add3A_220, %broadcast_in_dim3A_269], %gather3A_267 : memref<512x64xi32, #tpu.memory_space<vmem>>[vector<16xi32>, vector<16xi32>], vector<16xi32>,
      %add3A_270 = arith.constant 2 : i32
      %add3A_271 = vector.broadcast %add3A_270 : i32 to vector<16xi32>
      %add3A_272 = arith.addi %add3A_260, %add3A_271 : vector<16xi32>
      %gather3A_273 = tpu.vector_load_idx %arg12[%add3A_272] : memref<192xi32, #tpu.memory_space<vmem>>[vector<16xi32>], vector<16xi32>,
      %broadcast_in_dim3A_274 = arith.constant 32 : i32
      %broadcast_in_dim3A_275 = vector.broadcast %broadcast_in_dim3A_274 : i32 to vector<16xi32>
      tpu.vector_store_idx %arg11[%add3A_220, %broadcast_in_dim3A_275], %gather3A_273 : memref<512x64xi32, #tpu.memory_space<vmem>>[vector<16xi32>, vector<16xi32>], vector<16xi32>,
      %get3A_276 = arith.index_cast %mul3A_218 : i32 to index
      %get3A_277 = tpu.vector_load %arg15[%get3A_276] {strides = array<i32>} : memref<512xi32, #tpu.memory_space<vmem>>, vector<16xi32>,
      %mul3A_278 = arith.constant 2 : i32
      %mul3A_279 = vector.broadcast %mul3A_278 : i32 to vector<16xi32>
      %mul3A_280 = arith.muli %get3A_277, %mul3A_279 : vector<16xi32>
      %add3A_281 = arith.constant 156 : i32
      %add3A_282 = vector.broadcast %add3A_281 : i32 to vector<16xi32>
      %add3A_283 = arith.addi %mul3A_280, %add3A_282 : vector<16xi32>
      %gather3A_284 = tpu.vector_load_idx %arg12[%add3A_283] : memref<192xi32, #tpu.memory_space<vmem>>[vector<16xi32>], vector<16xi32>,
      %broadcast_in_dim3A_285 = arith.constant 33 : i32
      %broadcast_in_dim3A_286 = vector.broadcast %broadcast_in_dim3A_285 : i32 to vector<16xi32>
      tpu.vector_store_idx %arg11[%add3A_220, %broadcast_in_dim3A_286], %gather3A_284 : memref<512x64xi32, #tpu.memory_space<vmem>>[vector<16xi32>, vector<16xi32>], vector<16xi32>,
      %add3A_287 = arith.constant 1 : i32
      %add3A_288 = vector.broadcast %add3A_287 : i32 to vector<16xi32>
      %add3A_289 = arith.addi %add3A_283, %add3A_288 : vector<16xi32>
      %gather3A_290 = tpu.vector_load_idx %arg12[%add3A_289] : memref<192xi32, #tpu.memory_space<vmem>>[vector<16xi32>], vector<16xi32>,
      %broadcast_in_dim3A_291 = arith.constant 34 : i32
      %broadcast_in_dim3A_292 = vector.broadcast %broadcast_in_dim3A_291 : i32 to vector<16xi32>
      tpu.vector_store_idx %arg11[%add3A_220, %broadcast_in_dim3A_292], %gather3A_290 : memref<512x64xi32, #tpu.memory_space<vmem>>[vector<16xi32>, vector<16xi32>], vector<16xi32>,
      %get3A_293 = arith.index_cast %mul3A_218 : i32 to index
      %get3A_294 = tpu.vector_load %arg16[%get3A_293] {strides = array<i32>} : memref<512xi32, #tpu.memory_space<vmem>>, vector<16xi32>,
      %add3A_295 = arith.constant 170 : i32
      %add3A_296 = vector.broadcast %add3A_295 : i32 to vector<16xi32>
      %add3A_297 = arith.addi %get3A_294, %add3A_296 : vector<16xi32>
      %gather3A_298 = tpu.vector_load_idx %arg12[%add3A_297] : memref<192xi32, #tpu.memory_space<vmem>>[vector<16xi32>], vector<16xi32>,
      %broadcast_in_dim3A_299 = arith.constant 35 : i32
      %broadcast_in_dim3A_300 = vector.broadcast %broadcast_in_dim3A_299 : i32 to vector<16xi32>
      tpu.vector_store_idx %arg11[%add3A_220, %broadcast_in_dim3A_300], %gather3A_298 : memref<512x64xi32, #tpu.memory_space<vmem>>[vector<16xi32>, vector<16xi32>], vector<16xi32>,
    }
    %scan3A_117 = arith.constant 8 : i32
    %dma_start3A_118 = arith.constant 256 : i32
    %dma_start3A_119 = arith.constant 0 : i32
    %dma_start3A_120 = tpu.memref_slice %arg11[%dma_start3A_118, %dma_start3A_119] : memref<512x64xi32, #tpu.memory_space<vmem>> -> memref<128x64xi32, #tpu.memory_space<vmem>>
    %dma_start3A_121 = arith.constant 256 : i32
    %dma_start3A_122 = arith.constant 0 : i32
    %dma_start3A_123 = tpu.memref_slice %arg9[%add3A, %dma_start3A_121, %dma_start3A_122] : memref<32x512x64xi32, #tpu.memory_space<hbm>> -> memref<1x128x64xi32, #tpu.memory_space<hbm>>
    %dma_start3A_124 = tpu.memref_squeeze %dma_start3A_123 : memref<1x128x64xi32, #tpu.memory_space<hbm>> -> memref<128x64xi32, #tpu.memory_space<hbm>>
    %dma_start3A_125 = arith.constant 256 : i32
    %dma_start3A_126 = arith.constant 0 : i32
    %dma_start3A_127 = tpu.memref_slice %arg9[%add3A, %dma_start3A_125, %dma_start3A_126] : memref<32x512x64xi32, #tpu.memory_space<hbm>> -> memref<1x128x64xi32, #tpu.memory_space<hbm>>
    %dma_start3A_128 = tpu.memref_squeeze %dma_start3A_127 : memref<1x128x64xi32, #tpu.memory_space<hbm>> -> memref<128x64xi32, #tpu.memory_space<hbm>>
    %dma_start3A_129 = arith.constant 256 : i32
    %dma_start3A_130 = arith.constant 0 : i32
    %dma_start3A_131 = tpu.memref_slice %arg11[%dma_start3A_129, %dma_start3A_130] : memref<512x64xi32, #tpu.memory_space<vmem>> -> memref<128x64xi32, #tpu.memory_space<vmem>>
    tpu.enqueue_dma source(%dma_start3A_131 : memref<128x64xi32, #tpu.memory_space<vmem>>) target(%dma_start3A_128 : memref<128x64xi32, #tpu.memory_space<hbm>>) target_semaphore(%arg19 : memref<!tpu.dma_semaphore, #tpu.memory_space<semaphore_mem>>)
    %dma_wait3A_132 = arith.constant 384 : i32
    %dma_wait3A_133 = arith.constant 0 : i32
    %dma_wait3A_134 = tpu.memref_slice %arg11[%dma_wait3A_132, %dma_wait3A_133] : memref<512x64xi32, #tpu.memory_space<vmem>> -> memref<128x64xi32, #tpu.memory_space<vmem>>
    %dma_wait3A_135 = arith.constant 384 : i32
    %dma_wait3A_136 = tpu.memref_slice %arg10[%dma_wait3A_135] : memref<512xi32, #tpu.memory_space<vmem>> -> memref<128xi32, #tpu.memory_space<vmem>>
    %dma_wait3A_137 = arith.constant 0 : i32
    %dma_wait3A_138 = arith.constant 0 : i32
    %dma_wait3A_139 = tpu.memref_slice %arg2[%dma_wait3A_137, %dma_wait3A_138] : memref<1024x64xi32, #tpu.memory_space<hbm>> -> memref<1024x64xi32, #tpu.memory_space<hbm>>
    tpu.wait_indirect_dma semaphore(%arg17 : memref<!tpu.dma_semaphore, #tpu.memory_space<semaphore_mem>>) src(%dma_wait3A_139 : memref<1024x64xi32, #tpu.memory_space<hbm>>) dst(%dma_wait3A_134 : memref<128x64xi32, #tpu.memory_space<vmem>>)
    %scan3A_140 = arith.constant 0 : i32
    %scan3A_141 = arith.constant 24 : i32
    %scan3A_142 = arith.constant 8 : i32
    %scan3A_143 = arith.addi %scan3A_141, %scan3A_142 : i32
    %scan3A_144 = arith.constant 1 : i32
    scf.for %scan3A_216 = %scan3A_141 to %scan3A_143 step %scan3A_144  : i32 {
      %mul3A_217 = arith.constant 16 : i32
      %mul3A_218 = arith.muli %scan3A_216, %mul3A_217 : i32
      %iota3A = tpu.iota {dimensions = array<i32: 0>} : vector<16xi32>
      %add3A_219 = vector.broadcast %mul3A_218 : i32 to vector<16xi32>
      %add3A_220 = arith.addi %add3A_219, %iota3A : vector<16xi32>
      %get3A = arith.index_cast %mul3A_218 : i32 to index
      %get3A_221 = tpu.vector_load %arg13[%get3A] {strides = array<i32>} : memref<512xi32, #tpu.memory_space<vmem>>, vector<16xi32>,
      %mul3A_222 = arith.constant 5 : i32
      %mul3A_223 = vector.broadcast %mul3A_222 : i32 to vector<16xi32>
      %mul3A_224 = arith.muli %get3A_221, %mul3A_223 : vector<16xi32>
      %add3A_225 = arith.constant 0 : i32
      %add3A_226 = vector.broadcast %add3A_225 : i32 to vector<16xi32>
      %add3A_227 = arith.addi %mul3A_224, %add3A_226 : vector<16xi32>
      %gather3A = tpu.vector_load_idx %arg12[%add3A_227] : memref<192xi32, #tpu.memory_space<vmem>>[vector<16xi32>], vector<16xi32>,
      %broadcast_in_dim3A = arith.constant 25 : i32
      %broadcast_in_dim3A_228 = vector.broadcast %broadcast_in_dim3A : i32 to vector<16xi32>
      tpu.vector_store_idx %arg11[%add3A_220, %broadcast_in_dim3A_228], %gather3A : memref<512x64xi32, #tpu.memory_space<vmem>>[vector<16xi32>, vector<16xi32>], vector<16xi32>,
      %add3A_229 = arith.constant 1 : i32
      %add3A_230 = vector.broadcast %add3A_229 : i32 to vector<16xi32>
      %add3A_231 = arith.addi %add3A_227, %add3A_230 : vector<16xi32>
      %gather3A_232 = tpu.vector_load_idx %arg12[%add3A_231] : memref<192xi32, #tpu.memory_space<vmem>>[vector<16xi32>], vector<16xi32>,
      %broadcast_in_dim3A_233 = arith.constant 26 : i32
      %broadcast_in_dim3A_234 = vector.broadcast %broadcast_in_dim3A_233 : i32 to vector<16xi32>
      tpu.vector_store_idx %arg11[%add3A_220, %broadcast_in_dim3A_234], %gather3A_232 : memref<512x64xi32, #tpu.memory_space<vmem>>[vector<16xi32>, vector<16xi32>], vector<16xi32>,
      %add3A_235 = arith.constant 2 : i32
      %add3A_236 = vector.broadcast %add3A_235 : i32 to vector<16xi32>
      %add3A_237 = arith.addi %add3A_227, %add3A_236 : vector<16xi32>
      %gather3A_238 = tpu.vector_load_idx %arg12[%add3A_237] : memref<192xi32, #tpu.memory_space<vmem>>[vector<16xi32>], vector<16xi32>,
      %broadcast_in_dim3A_239 = arith.constant 27 : i32
      %broadcast_in_dim3A_240 = vector.broadcast %broadcast_in_dim3A_239 : i32 to vector<16xi32>
      tpu.vector_store_idx %arg11[%add3A_220, %broadcast_in_dim3A_240], %gather3A_238 : memref<512x64xi32, #tpu.memory_space<vmem>>[vector<16xi32>, vector<16xi32>], vector<16xi32>,
      %add3A_241 = arith.constant 3 : i32
      %add3A_242 = vector.broadcast %add3A_241 : i32 to vector<16xi32>
      %add3A_243 = arith.addi %add3A_227, %add3A_242 : vector<16xi32>
      %gather3A_244 = tpu.vector_load_idx %arg12[%add3A_243] : memref<192xi32, #tpu.memory_space<vmem>>[vector<16xi32>], vector<16xi32>,
      %broadcast_in_dim3A_245 = arith.constant 28 : i32
      %broadcast_in_dim3A_246 = vector.broadcast %broadcast_in_dim3A_245 : i32 to vector<16xi32>
      tpu.vector_store_idx %arg11[%add3A_220, %broadcast_in_dim3A_246], %gather3A_244 : memref<512x64xi32, #tpu.memory_space<vmem>>[vector<16xi32>, vector<16xi32>], vector<16xi32>,
      %add3A_247 = arith.constant 4 : i32
      %add3A_248 = vector.broadcast %add3A_247 : i32 to vector<16xi32>
      %add3A_249 = arith.addi %add3A_227, %add3A_248 : vector<16xi32>
      %gather3A_250 = tpu.vector_load_idx %arg12[%add3A_249] : memref<192xi32, #tpu.memory_space<vmem>>[vector<16xi32>], vector<16xi32>,
      %broadcast_in_dim3A_251 = arith.constant 29 : i32
      %broadcast_in_dim3A_252 = vector.broadcast %broadcast_in_dim3A_251 : i32 to vector<16xi32>
      tpu.vector_store_idx %arg11[%add3A_220, %broadcast_in_dim3A_252], %gather3A_250 : memref<512x64xi32, #tpu.memory_space<vmem>>[vector<16xi32>, vector<16xi32>], vector<16xi32>,
      %get3A_253 = arith.index_cast %mul3A_218 : i32 to index
      %get3A_254 = tpu.vector_load %arg14[%get3A_253] {strides = array<i32>} : memref<512xi32, #tpu.memory_space<vmem>>, vector<16xi32>,
      %mul3A_255 = arith.constant 3 : i32
      %mul3A_256 = vector.broadcast %mul3A_255 : i32 to vector<16xi32>
      %mul3A_257 = arith.muli %get3A_254, %mul3A_256 : vector<16xi32>
      %add3A_258 = arith.constant 120 : i32
      %add3A_259 = vector.broadcast %add3A_258 : i32 to vector<16xi32>
      %add3A_260 = arith.addi %mul3A_257, %add3A_259 : vector<16xi32>
      %gather3A_261 = tpu.vector_load_idx %arg12[%add3A_260] : memref<192xi32, #tpu.memory_space<vmem>>[vector<16xi32>], vector<16xi32>,
      %broadcast_in_dim3A_262 = arith.constant 30 : i32
      %broadcast_in_dim3A_263 = vector.broadcast %broadcast_in_dim3A_262 : i32 to vector<16xi32>
      tpu.vector_store_idx %arg11[%add3A_220, %broadcast_in_dim3A_263], %gather3A_261 : memref<512x64xi32, #tpu.memory_space<vmem>>[vector<16xi32>, vector<16xi32>], vector<16xi32>,
      %add3A_264 = arith.constant 1 : i32
      %add3A_265 = vector.broadcast %add3A_264 : i32 to vector<16xi32>
      %add3A_266 = arith.addi %add3A_260, %add3A_265 : vector<16xi32>
      %gather3A_267 = tpu.vector_load_idx %arg12[%add3A_266] : memref<192xi32, #tpu.memory_space<vmem>>[vector<16xi32>], vector<16xi32>,
      %broadcast_in_dim3A_268 = arith.constant 31 : i32
      %broadcast_in_dim3A_269 = vector.broadcast %broadcast_in_dim3A_268 : i32 to vector<16xi32>
      tpu.vector_store_idx %arg11[%add3A_220, %broadcast_in_dim3A_269], %gather3A_267 : memref<512x64xi32, #tpu.memory_space<vmem>>[vector<16xi32>, vector<16xi32>], vector<16xi32>,
      %add3A_270 = arith.constant 2 : i32
      %add3A_271 = vector.broadcast %add3A_270 : i32 to vector<16xi32>
      %add3A_272 = arith.addi %add3A_260, %add3A_271 : vector<16xi32>
      %gather3A_273 = tpu.vector_load_idx %arg12[%add3A_272] : memref<192xi32, #tpu.memory_space<vmem>>[vector<16xi32>], vector<16xi32>,
      %broadcast_in_dim3A_274 = arith.constant 32 : i32
      %broadcast_in_dim3A_275 = vector.broadcast %broadcast_in_dim3A_274 : i32 to vector<16xi32>
      tpu.vector_store_idx %arg11[%add3A_220, %broadcast_in_dim3A_275], %gather3A_273 : memref<512x64xi32, #tpu.memory_space<vmem>>[vector<16xi32>, vector<16xi32>], vector<16xi32>,
      %get3A_276 = arith.index_cast %mul3A_218 : i32 to index
      %get3A_277 = tpu.vector_load %arg15[%get3A_276] {strides = array<i32>} : memref<512xi32, #tpu.memory_space<vmem>>, vector<16xi32>,
      %mul3A_278 = arith.constant 2 : i32
      %mul3A_279 = vector.broadcast %mul3A_278 : i32 to vector<16xi32>
      %mul3A_280 = arith.muli %get3A_277, %mul3A_279 : vector<16xi32>
      %add3A_281 = arith.constant 156 : i32
      %add3A_282 = vector.broadcast %add3A_281 : i32 to vector<16xi32>
      %add3A_283 = arith.addi %mul3A_280, %add3A_282 : vector<16xi32>
      %gather3A_284 = tpu.vector_load_idx %arg12[%add3A_283] : memref<192xi32, #tpu.memory_space<vmem>>[vector<16xi32>], vector<16xi32>,
      %broadcast_in_dim3A_285 = arith.constant 33 : i32
      %broadcast_in_dim3A_286 = vector.broadcast %broadcast_in_dim3A_285 : i32 to vector<16xi32>
      tpu.vector_store_idx %arg11[%add3A_220, %broadcast_in_dim3A_286], %gather3A_284 : memref<512x64xi32, #tpu.memory_space<vmem>>[vector<16xi32>, vector<16xi32>], vector<16xi32>,
      %add3A_287 = arith.constant 1 : i32
      %add3A_288 = vector.broadcast %add3A_287 : i32 to vector<16xi32>
      %add3A_289 = arith.addi %add3A_283, %add3A_288 : vector<16xi32>
      %gather3A_290 = tpu.vector_load_idx %arg12[%add3A_289] : memref<192xi32, #tpu.memory_space<vmem>>[vector<16xi32>], vector<16xi32>,
      %broadcast_in_dim3A_291 = arith.constant 34 : i32
      %broadcast_in_dim3A_292 = vector.broadcast %broadcast_in_dim3A_291 : i32 to vector<16xi32>
      tpu.vector_store_idx %arg11[%add3A_220, %broadcast_in_dim3A_292], %gather3A_290 : memref<512x64xi32, #tpu.memory_space<vmem>>[vector<16xi32>, vector<16xi32>], vector<16xi32>,
      %get3A_293 = arith.index_cast %mul3A_218 : i32 to index
      %get3A_294 = tpu.vector_load %arg16[%get3A_293] {strides = array<i32>} : memref<512xi32, #tpu.memory_space<vmem>>, vector<16xi32>,
      %add3A_295 = arith.constant 170 : i32
      %add3A_296 = vector.broadcast %add3A_295 : i32 to vector<16xi32>
      %add3A_297 = arith.addi %get3A_294, %add3A_296 : vector<16xi32>
      %gather3A_298 = tpu.vector_load_idx %arg12[%add3A_297] : memref<192xi32, #tpu.memory_space<vmem>>[vector<16xi32>], vector<16xi32>,
      %broadcast_in_dim3A_299 = arith.constant 35 : i32
      %broadcast_in_dim3A_300 = vector.broadcast %broadcast_in_dim3A_299 : i32 to vector<16xi32>
      tpu.vector_store_idx %arg11[%add3A_220, %broadcast_in_dim3A_300], %gather3A_298 : memref<512x64xi32, #tpu.memory_space<vmem>>[vector<16xi32>, vector<16xi32>], vector<16xi32>,
    }
    %scan3A_145 = arith.constant 8 : i32
    %dma_start3A_146 = arith.constant 384 : i32
    %dma_start3A_147 = arith.constant 0 : i32
    %dma_start3A_148 = tpu.memref_slice %arg11[%dma_start3A_146, %dma_start3A_147] : memref<512x64xi32, #tpu.memory_space<vmem>> -> memref<128x64xi32, #tpu.memory_space<vmem>>
    %dma_start3A_149 = arith.constant 384 : i32
    %dma_start3A_150 = arith.constant 0 : i32
    %dma_start3A_151 = tpu.memref_slice %arg9[%add3A, %dma_start3A_149, %dma_start3A_150] : memref<32x512x64xi32, #tpu.memory_space<hbm>> -> memref<1x128x64xi32, #tpu.memory_space<hbm>>
    %dma_start3A_152 = tpu.memref_squeeze %dma_start3A_151 : memref<1x128x64xi32, #tpu.memory_space<hbm>> -> memref<128x64xi32, #tpu.memory_space<hbm>>
    %dma_start3A_153 = arith.constant 384 : i32
    %dma_start3A_154 = arith.constant 0 : i32
    %dma_start3A_155 = tpu.memref_slice %arg9[%add3A, %dma_start3A_153, %dma_start3A_154] : memref<32x512x64xi32, #tpu.memory_space<hbm>> -> memref<1x128x64xi32, #tpu.memory_space<hbm>>
    %dma_start3A_156 = tpu.memref_squeeze %dma_start3A_155 : memref<1x128x64xi32, #tpu.memory_space<hbm>> -> memref<128x64xi32, #tpu.memory_space<hbm>>
    %dma_start3A_157 = arith.constant 384 : i32
    %dma_start3A_158 = arith.constant 0 : i32
    %dma_start3A_159 = tpu.memref_slice %arg11[%dma_start3A_157, %dma_start3A_158] : memref<512x64xi32, #tpu.memory_space<vmem>> -> memref<128x64xi32, #tpu.memory_space<vmem>>
    tpu.enqueue_dma source(%dma_start3A_159 : memref<128x64xi32, #tpu.memory_space<vmem>>) target(%dma_start3A_156 : memref<128x64xi32, #tpu.memory_space<hbm>>) target_semaphore(%arg19 : memref<!tpu.dma_semaphore, #tpu.memory_space<semaphore_mem>>)
    %dma_wait3A_160 = arith.constant 0 : i32
    %dma_wait3A_161 = arith.constant 0 : i32
    %dma_wait3A_162 = tpu.memref_slice %arg11[%dma_wait3A_160, %dma_wait3A_161] : memref<512x64xi32, #tpu.memory_space<vmem>> -> memref<128x64xi32, #tpu.memory_space<vmem>>
    %dma_wait3A_163 = arith.constant 0 : i32
    %dma_wait3A_164 = arith.constant 0 : i32
    %dma_wait3A_165 = tpu.memref_slice %arg9[%add3A, %dma_wait3A_163, %dma_wait3A_164] : memref<32x512x64xi32, #tpu.memory_space<hbm>> -> memref<1x128x64xi32, #tpu.memory_space<hbm>>
    %dma_wait3A_166 = tpu.memref_squeeze %dma_wait3A_165 : memref<1x128x64xi32, #tpu.memory_space<hbm>> -> memref<128x64xi32, #tpu.memory_space<hbm>>
    %dma_wait3A_167 = arith.constant 0 : i32
    %dma_wait3A_168 = arith.constant 0 : i32
    %dma_wait3A_169 = tpu.memref_slice %arg9[%add3A, %dma_wait3A_167, %dma_wait3A_168] : memref<32x512x64xi32, #tpu.memory_space<hbm>> -> memref<1x128x64xi32, #tpu.memory_space<hbm>>
    %dma_wait3A_170 = tpu.memref_squeeze %dma_wait3A_169 : memref<1x128x64xi32, #tpu.memory_space<hbm>> -> memref<128x64xi32, #tpu.memory_space<hbm>>
    %dma_wait3A_171 = arith.constant 0 : i32
    %dma_wait3A_172 = arith.constant 0 : i32
    %dma_wait3A_173 = tpu.memref_slice %arg11[%dma_wait3A_171, %dma_wait3A_172] : memref<512x64xi32, #tpu.memory_space<vmem>> -> memref<128x64xi32, #tpu.memory_space<vmem>>
    tpu.wait_dma2 semaphore(%arg19 : memref<!tpu.dma_semaphore, #tpu.memory_space<semaphore_mem>>) src(%dma_wait3A_173 : memref<128x64xi32, #tpu.memory_space<vmem>>) dst(%dma_wait3A_170 : memref<128x64xi32, #tpu.memory_space<hbm>>)
    %dma_wait3A_174 = arith.constant 128 : i32
    %dma_wait3A_175 = arith.constant 0 : i32
    %dma_wait3A_176 = tpu.memref_slice %arg11[%dma_wait3A_174, %dma_wait3A_175] : memref<512x64xi32, #tpu.memory_space<vmem>> -> memref<128x64xi32, #tpu.memory_space<vmem>>
    %dma_wait3A_177 = arith.constant 128 : i32
    %dma_wait3A_178 = arith.constant 0 : i32
    %dma_wait3A_179 = tpu.memref_slice %arg9[%add3A, %dma_wait3A_177, %dma_wait3A_178] : memref<32x512x64xi32, #tpu.memory_space<hbm>> -> memref<1x128x64xi32, #tpu.memory_space<hbm>>
    %dma_wait3A_180 = tpu.memref_squeeze %dma_wait3A_179 : memref<1x128x64xi32, #tpu.memory_space<hbm>> -> memref<128x64xi32, #tpu.memory_space<hbm>>
    %dma_wait3A_181 = arith.constant 128 : i32
    %dma_wait3A_182 = arith.constant 0 : i32
    %dma_wait3A_183 = tpu.memref_slice %arg9[%add3A, %dma_wait3A_181, %dma_wait3A_182] : memref<32x512x64xi32, #tpu.memory_space<hbm>> -> memref<1x128x64xi32, #tpu.memory_space<hbm>>
    %dma_wait3A_184 = tpu.memref_squeeze %dma_wait3A_183 : memref<1x128x64xi32, #tpu.memory_space<hbm>> -> memref<128x64xi32, #tpu.memory_space<hbm>>
    %dma_wait3A_185 = arith.constant 128 : i32
    %dma_wait3A_186 = arith.constant 0 : i32
    %dma_wait3A_187 = tpu.memref_slice %arg11[%dma_wait3A_185, %dma_wait3A_186] : memref<512x64xi32, #tpu.memory_space<vmem>> -> memref<128x64xi32, #tpu.memory_space<vmem>>
    tpu.wait_dma2 semaphore(%arg19 : memref<!tpu.dma_semaphore, #tpu.memory_space<semaphore_mem>>) src(%dma_wait3A_187 : memref<128x64xi32, #tpu.memory_space<vmem>>) dst(%dma_wait3A_184 : memref<128x64xi32, #tpu.memory_space<hbm>>)
    %dma_wait3A_188 = arith.constant 256 : i32
    %dma_wait3A_189 = arith.constant 0 : i32
    %dma_wait3A_190 = tpu.memref_slice %arg11[%dma_wait3A_188, %dma_wait3A_189] : memref<512x64xi32, #tpu.memory_space<vmem>> -> memref<128x64xi32, #tpu.memory_space<vmem>>
    %dma_wait3A_191 = arith.constant 256 : i32
    %dma_wait3A_192 = arith.constant 0 : i32
    %dma_wait3A_193 = tpu.memref_slice %arg9[%add3A, %dma_wait3A_191, %dma_wait3A_192] : memref<32x512x64xi32, #tpu.memory_space<hbm>> -> memref<1x128x64xi32, #tpu.memory_space<hbm>>
    %dma_wait3A_194 = tpu.memref_squeeze %dma_wait3A_193 : memref<1x128x64xi32, #tpu.memory_space<hbm>> -> memref<128x64xi32, #tpu.memory_space<hbm>>
    %dma_wait3A_195 = arith.constant 256 : i32
    %dma_wait3A_196 = arith.constant 0 : i32
    %dma_wait3A_197 = tpu.memref_slice %arg9[%add3A, %dma_wait3A_195, %dma_wait3A_196] : memref<32x512x64xi32, #tpu.memory_space<hbm>> -> memref<1x128x64xi32, #tpu.memory_space<hbm>>
    %dma_wait3A_198 = tpu.memref_squeeze %dma_wait3A_197 : memref<1x128x64xi32, #tpu.memory_space<hbm>> -> memref<128x64xi32, #tpu.memory_space<hbm>>
    %dma_wait3A_199 = arith.constant 256 : i32
    %dma_wait3A_200 = arith.constant 0 : i32
    %dma_wait3A_201 = tpu.memref_slice %arg11[%dma_wait3A_199, %dma_wait3A_200] : memref<512x64xi32, #tpu.memory_space<vmem>> -> memref<128x64xi32, #tpu.memory_space<vmem>>
    tpu.wait_dma2 semaphore(%arg19 : memref<!tpu.dma_semaphore, #tpu.memory_space<semaphore_mem>>) src(%dma_wait3A_201 : memref<128x64xi32, #tpu.memory_space<vmem>>) dst(%dma_wait3A_198 : memref<128x64xi32, #tpu.memory_space<hbm>>)
    %dma_wait3A_202 = arith.constant 384 : i32
    %dma_wait3A_203 = arith.constant 0 : i32
    %dma_wait3A_204 = tpu.memref_slice %arg11[%dma_wait3A_202, %dma_wait3A_203] : memref<512x64xi32, #tpu.memory_space<vmem>> -> memref<128x64xi32, #tpu.memory_space<vmem>>
    %dma_wait3A_205 = arith.constant 384 : i32
    %dma_wait3A_206 = arith.constant 0 : i32
    %dma_wait3A_207 = tpu.memref_slice %arg9[%add3A, %dma_wait3A_205, %dma_wait3A_206] : memref<32x512x64xi32, #tpu.memory_space<hbm>> -> memref<1x128x64xi32, #tpu.memory_space<hbm>>
    %dma_wait3A_208 = tpu.memref_squeeze %dma_wait3A_207 : memref<1x128x64xi32, #tpu.memory_space<hbm>> -> memref<128x64xi32, #tpu.memory_space<hbm>>
    %dma_wait3A_209 = arith.constant 384 : i32
    %dma_wait3A_210 = arith.constant 0 : i32
    %dma_wait3A_211 = tpu.memref_slice %arg9[%add3A, %dma_wait3A_209, %dma_wait3A_210] : memref<32x512x64xi32, #tpu.memory_space<hbm>> -> memref<1x128x64xi32, #tpu.memory_space<hbm>>
    %dma_wait3A_212 = tpu.memref_squeeze %dma_wait3A_211 : memref<1x128x64xi32, #tpu.memory_space<hbm>> -> memref<128x64xi32, #tpu.memory_space<hbm>>
    %dma_wait3A_213 = arith.constant 384 : i32
    %dma_wait3A_214 = arith.constant 0 : i32
    %dma_wait3A_215 = tpu.memref_slice %arg11[%dma_wait3A_213, %dma_wait3A_214] : memref<512x64xi32, #tpu.memory_space<vmem>> -> memref<128x64xi32, #tpu.memory_space<vmem>>
    tpu.wait_dma2 semaphore(%arg19 : memref<!tpu.dma_semaphore, #tpu.memory_space<semaphore_mem>>) src(%dma_wait3A_215 : memref<128x64xi32, #tpu.memory_space<vmem>>) dst(%dma_wait3A_212 : memref<128x64xi32, #tpu.memory_space<hbm>>)
    return
  }
}

module attributes {stable_mosaic.version = 14 : i64} {
  func.func @body(%arg0: i32, %arg1: memref<4096x128xi32, #tpu.memory_space<vmem>>, %arg2: memref<64x100xbf16, #tpu.memory_space<vmem>>, %arg3: memref<64x100xbf16, #tpu.memory_space<vmem>>, %arg4: memref<1x100xf32, #tpu.memory_space<vmem>>, %arg5: memref<100x50xf32, #tpu.memory_space<vmem>>, %arg6: memref<1x50xf32, #tpu.memory_space<vmem>>, %arg7: memref<50x1xf32, #tpu.memory_space<vmem>>, %arg8: memref<1x1xf32, #tpu.memory_space<vmem>>, %arg9: memref<4096x2xf32, #tpu.memory_space<vmem>>) attributes {dimension_semantics = [#tpu.dimension_semantics<arbitrary>], iteration_bounds = array<i64: 2>, scalar_prefetch = 0 : i64, scratch_operands = 0 : i64, tpu.core_type = #tpu.core_type<tc>, window_params = [{transform_indices = @transform_0, window_bounds = array<i64: 4096, 128>}, {pipeline_mode = #tpu.pipeline_mode<synchronous>, transform_indices = @transform_1, window_bounds = array<i64: 64, 100>}, {pipeline_mode = #tpu.pipeline_mode<synchronous>, transform_indices = @transform_2, window_bounds = array<i64: 64, 100>}, {pipeline_mode = #tpu.pipeline_mode<synchronous>, transform_indices = @transform_3, window_bounds = array<i64: 1, 100>}, {pipeline_mode = #tpu.pipeline_mode<synchronous>, transform_indices = @transform_4, window_bounds = array<i64: 100, 50>}, {pipeline_mode = #tpu.pipeline_mode<synchronous>, transform_indices = @transform_5, window_bounds = array<i64: 1, 50>}, {pipeline_mode = #tpu.pipeline_mode<synchronous>, transform_indices = @transform_6, window_bounds = array<i64: 50, 1>}, {pipeline_mode = #tpu.pipeline_mode<synchronous>, transform_indices = @transform_7, window_bounds = array<i64: 1, 1>}, {transform_indices = @transform_8, window_bounds = array<i64: 4096, 2>}]} {
    %get3A = arith.constant 0 : index
    %get3A_0 = arith.constant 0 : index
    %get3A_1 = vector.load %arg1[%get3A, %get3A_0] : memref<4096x128xi32, #tpu.memory_space<vmem>>, vector<4096x128xi32>
    %get3A_2 = arith.constant 0 : index
    %get3A_3 = arith.constant 0 : index
    %get3A_4 = vector.load %arg2[%get3A_2, %get3A_3] : memref<64x100xbf16, #tpu.memory_space<vmem>>, vector<64x100xbf16>
    %get3A_5 = arith.constant 0 : index
    %get3A_6 = arith.constant 0 : index
    %get3A_7 = vector.load %arg3[%get3A_5, %get3A_6] : memref<64x100xbf16, #tpu.memory_space<vmem>>, vector<64x100xbf16>
    %slice3A = vector.extract_strided_slice %get3A_1 {offsets = [0, 0], sizes = [4096, 64], strides = [1, 1]} : vector<4096x128xi32> to vector<4096x64xi32>
    %slice3A_8 = vector.extract_strided_slice %get3A_1 {offsets = [0, 64], sizes = [4096, 64], strides = [1, 1]} : vector<4096x128xi32> to vector<4096x64xi32>
    %shift_left3A = arith.constant 16 : i32
    %shift_left3A_9 = vector.broadcast %shift_left3A : i32 to vector<4096x64xi32>
    %shift_left3A_10 = arith.shli %slice3A, %shift_left3A_9 : vector<4096x64xi32>
    %bitcast_convert_type3A = tpu.bitcast %shift_left3A_10 : vector<4096x64xi32> -> vector<4096x64xf32>
    %convert_element_type3A = arith.truncf %bitcast_convert_type3A : vector<4096x64xf32> to vector<4096x64xbf16>
    %and3A = arith.constant -65536 : i32
    %and3A_11 = vector.broadcast %and3A : i32 to vector<4096x64xi32>
    %and3A_12 = arith.andi %slice3A, %and3A_11 : vector<4096x64xi32>
    %bitcast_convert_type3A_13 = tpu.bitcast %and3A_12 : vector<4096x64xi32> -> vector<4096x64xf32>
    %convert_element_type3A_14 = arith.truncf %bitcast_convert_type3A_13 : vector<4096x64xf32> to vector<4096x64xbf16>
    %dot_general3A = arith.constant dense<0.000000e+00> : vector<4096x100xf32>
    %dot_general3A_15 = tpu.matmul %convert_element_type3A, %get3A_4, %dot_general3A {dimension_numbers = #tpu.dot_dimension_numbers<[1], [0], [0], [1], [0, 0, 1, 1], [], []>, transpose_lhs_hint = false} : vector<4096x64xbf16>, vector<64x100xbf16>, vector<4096x100xf32> -> vector<4096x100xf32>
    %dot_general3A_16 = arith.constant dense<0.000000e+00> : vector<4096x100xf32>
    %dot_general3A_17 = tpu.matmul %convert_element_type3A_14, %get3A_7, %dot_general3A_16 {dimension_numbers = #tpu.dot_dimension_numbers<[1], [0], [0], [1], [0, 0, 1, 1], [], []>, transpose_lhs_hint = false} : vector<4096x64xbf16>, vector<64x100xbf16>, vector<4096x100xf32> -> vector<4096x100xf32>
    %add3A = arith.addf %dot_general3A_15, %dot_general3A_17 : vector<4096x100xf32>
    %shift_left3A_18 = arith.constant 16 : i32
    %shift_left3A_19 = vector.broadcast %shift_left3A_18 : i32 to vector<4096x64xi32>
    %shift_left3A_20 = arith.shli %slice3A_8, %shift_left3A_19 : vector<4096x64xi32>
    %bitcast_convert_type3A_21 = tpu.bitcast %shift_left3A_20 : vector<4096x64xi32> -> vector<4096x64xf32>
    %convert_element_type3A_22 = arith.truncf %bitcast_convert_type3A_21 : vector<4096x64xf32> to vector<4096x64xbf16>
    %and3A_23 = arith.constant -65536 : i32
    %and3A_24 = vector.broadcast %and3A_23 : i32 to vector<4096x64xi32>
    %and3A_25 = arith.andi %slice3A_8, %and3A_24 : vector<4096x64xi32>
    %bitcast_convert_type3A_26 = tpu.bitcast %and3A_25 : vector<4096x64xi32> -> vector<4096x64xf32>
    %convert_element_type3A_27 = arith.truncf %bitcast_convert_type3A_26 : vector<4096x64xf32> to vector<4096x64xbf16>
    %dot_general3A_28 = arith.constant dense<0.000000e+00> : vector<4096x100xf32>
    %dot_general3A_29 = tpu.matmul %convert_element_type3A_22, %get3A_4, %dot_general3A_28 {dimension_numbers = #tpu.dot_dimension_numbers<[1], [0], [0], [1], [0, 0, 1, 1], [], []>, transpose_lhs_hint = false} : vector<4096x64xbf16>, vector<64x100xbf16>, vector<4096x100xf32> -> vector<4096x100xf32>
    %dot_general3A_30 = arith.constant dense<0.000000e+00> : vector<4096x100xf32>
    %dot_general3A_31 = tpu.matmul %convert_element_type3A_27, %get3A_7, %dot_general3A_30 {dimension_numbers = #tpu.dot_dimension_numbers<[1], [0], [0], [1], [0, 0, 1, 1], [], []>, transpose_lhs_hint = false} : vector<4096x64xbf16>, vector<64x100xbf16>, vector<4096x100xf32> -> vector<4096x100xf32>
    %add3A_32 = arith.addf %dot_general3A_29, %dot_general3A_31 : vector<4096x100xf32>
    %concatenate3A = tpu.concatenate %add3A, %add3A_32 in 0 : vector<4096x100xf32>, vector<4096x100xf32> -> vector<8192x100xf32>
    %get3A_33 = arith.constant 0 : index
    %get3A_34 = arith.constant 0 : index
    %get3A_35 = vector.load %arg4[%get3A_33, %get3A_34] : memref<1x100xf32, #tpu.memory_space<vmem>>, vector<1x100xf32>
    %add3A_36 = vector.broadcast %get3A_35 : vector<1x100xf32> to vector<8192x100xf32>
    %add3A_37 = arith.addf %concatenate3A, %add3A_36 : vector<8192x100xf32>
    %max3A = arith.constant 0.000000e+00 : f32
    %max3A_38 = vector.broadcast %max3A : f32 to vector<8192x100xf32>
    %max3A_39 = arith.maximumf %add3A_37, %max3A_38 : vector<8192x100xf32>
    %get3A_40 = arith.constant 0 : index
    %get3A_41 = arith.constant 0 : index
    %get3A_42 = vector.load %arg5[%get3A_40, %get3A_41] : memref<100x50xf32, #tpu.memory_space<vmem>>, vector<100x50xf32>
    %dot_general3A_43 = arith.constant dense<0.000000e+00> : vector<8192x50xf32>
    %dot_general3A_44 = tpu.matmul %max3A_39, %get3A_42, %dot_general3A_43 {dimension_numbers = #tpu.dot_dimension_numbers<[1], [0], [0], [1], [0, 0, 1, 1], [], []>, transpose_lhs_hint = false} : vector<8192x100xf32>, vector<100x50xf32>, vector<8192x50xf32> -> vector<8192x50xf32>
    %get3A_45 = arith.constant 0 : index
    %get3A_46 = arith.constant 0 : index
    %get3A_47 = vector.load %arg6[%get3A_45, %get3A_46] : memref<1x50xf32, #tpu.memory_space<vmem>>, vector<1x50xf32>
    %add3A_48 = vector.broadcast %get3A_47 : vector<1x50xf32> to vector<8192x50xf32>
    %add3A_49 = arith.addf %dot_general3A_44, %add3A_48 : vector<8192x50xf32>
    %max3A_50 = arith.constant 0.000000e+00 : f32
    %max3A_51 = vector.broadcast %max3A_50 : f32 to vector<8192x50xf32>
    %max3A_52 = arith.maximumf %add3A_49, %max3A_51 : vector<8192x50xf32>
    %get3A_53 = arith.constant 0 : index
    %get3A_54 = arith.constant 0 : index
    %get3A_55 = vector.load %arg7[%get3A_53, %get3A_54] : memref<50x1xf32, #tpu.memory_space<vmem>>, vector<50x1xf32>
    %dot_general3A_56 = arith.constant dense<0.000000e+00> : vector<8192x1xf32>
    %dot_general3A_57 = tpu.matmul %max3A_52, %get3A_55, %dot_general3A_56 {dimension_numbers = #tpu.dot_dimension_numbers<[1], [0], [0], [1], [0, 0, 1, 1], [], []>, transpose_lhs_hint = false} : vector<8192x50xf32>, vector<50x1xf32>, vector<8192x1xf32> -> vector<8192x1xf32>
    %get3A_58 = arith.constant 0 : index
    %get3A_59 = arith.constant 0 : index
    %get3A_60 = vector.load %arg8[%get3A_58, %get3A_59] : memref<1x1xf32, #tpu.memory_space<vmem>>, vector<1x1xf32>
    %add3A_61 = vector.broadcast %get3A_60 : vector<1x1xf32> to vector<8192x1xf32>
    %add3A_62 = arith.addf %dot_general3A_57, %add3A_61 : vector<8192x1xf32>
    %logistic3A = arith.negf %add3A_62 : vector<8192x1xf32>
    %logistic3A_63 = math.exp %logistic3A : vector<8192x1xf32>
    %logistic3A_64 = arith.constant 1.000000e+00 : f32
    %logistic3A_65 = vector.broadcast %logistic3A_64 : f32 to vector<8192x1xf32>
    %logistic3A_66 = arith.addf %logistic3A_65, %logistic3A_63 : vector<8192x1xf32>
    %logistic3A_67 = arith.divf %logistic3A_65, %logistic3A_66 : vector<8192x1xf32>
    %slice3A_68 = vector.extract_strided_slice %logistic3A_67 {offsets = [0, 0], sizes = [4096, 1], strides = [1, 1]} : vector<8192x1xf32> to vector<4096x1xf32>
    %slice3A_69 = vector.extract_strided_slice %logistic3A_67 {offsets = [4096, 0], sizes = [4096, 1], strides = [1, 1]} : vector<8192x1xf32> to vector<4096x1xf32>
    %concatenate3A_70 = tpu.concatenate %slice3A_68, %slice3A_69 in 1 : vector<4096x1xf32>, vector<4096x1xf32> -> vector<4096x2xf32>
    %swap3A = arith.constant 0 : index
    %swap3A_71 = arith.constant 0 : index
    %swap3A_72 = vector.load %arg9[%swap3A, %swap3A_71] : memref<4096x2xf32, #tpu.memory_space<vmem>>, vector<4096x2xf32>
    tpu.vector_store %arg9[%swap3A, %swap3A_71], %concatenate3A_70 {strides = array<i32>} : memref<4096x2xf32, #tpu.memory_space<vmem>>, vector<4096x2xf32>,
    return
  }
  func.func @transform_0(%arg0: i32) -> (i32, i32) {
    %c0_i32 = arith.constant 0 : i32
    %c0_i32_0 = arith.constant 0 : i32
    return %arg0, %c0_i32 : i32, i32
  }
  func.func @transform_1(%arg0: i32) -> (i32, i32) {
    %c0_i32 = arith.constant 0 : i32
    %c0_i32_0 = arith.constant 0 : i32
    %c0_i32_1 = arith.constant 0 : i32
    return %c0_i32, %c0_i32_0 : i32, i32
  }
  func.func @transform_2(%arg0: i32) -> (i32, i32) {
    %c0_i32 = arith.constant 0 : i32
    %c0_i32_0 = arith.constant 0 : i32
    %c0_i32_1 = arith.constant 0 : i32
    return %c0_i32, %c0_i32_0 : i32, i32
  }
  func.func @transform_3(%arg0: i32) -> (i32, i32) {
    %c0_i32 = arith.constant 0 : i32
    %c0_i32_0 = arith.constant 0 : i32
    %c0_i32_1 = arith.constant 0 : i32
    return %c0_i32, %c0_i32_0 : i32, i32
  }
  func.func @transform_4(%arg0: i32) -> (i32, i32) {
    %c0_i32 = arith.constant 0 : i32
    %c0_i32_0 = arith.constant 0 : i32
    %c0_i32_1 = arith.constant 0 : i32
    return %c0_i32, %c0_i32_0 : i32, i32
  }
  func.func @transform_5(%arg0: i32) -> (i32, i32) {
    %c0_i32 = arith.constant 0 : i32
    %c0_i32_0 = arith.constant 0 : i32
    %c0_i32_1 = arith.constant 0 : i32
    return %c0_i32, %c0_i32_0 : i32, i32
  }
  func.func @transform_6(%arg0: i32) -> (i32, i32) {
    %c0_i32 = arith.constant 0 : i32
    %c0_i32_0 = arith.constant 0 : i32
    %c0_i32_1 = arith.constant 0 : i32
    return %c0_i32, %c0_i32_0 : i32, i32
  }
  func.func @transform_7(%arg0: i32) -> (i32, i32) {
    %c0_i32 = arith.constant 0 : i32
    %c0_i32_0 = arith.constant 0 : i32
    %c0_i32_1 = arith.constant 0 : i32
    return %c0_i32, %c0_i32_0 : i32, i32
  }
  func.func @transform_8(%arg0: i32) -> (i32, i32) {
    %c0_i32 = arith.constant 0 : i32
    %c0_i32_0 = arith.constant 0 : i32
    return %arg0, %c0_i32 : i32, i32
  }
}

</mosaic_0001>

<sc_bundles>
// kernel: kernel.4.cloned.1.call-start
scs
__scs_entry_jumppad:
0x0: {  	(pc) =	sbr.rel $0x88, $3  }
0x1: {  	(tag) =	ssettag $0x0;
	lr =	simm.s32 $0x1  }
0x2: {  	[smem:$0x3F91] =	sst lr;
	_ =	strace $0xD0000000  }
0x3: {  	_ = 	snop  }
0x4: {  	_ = 	snop  }
0x5: {  	_ = 	snop  }
0x6: {  	_ = 	snop  }
0x7: {  	_ = 	snop  }
__scs_overlays_trampoline_lowered:
0x8: {  	[smem:$0x3FA0] =	sst s0  }
0x9: {  	[smem:$0x3FA1] =	sst s1  }
0xa: {  	[smem:$0x3FA2] =	sst s2  }
0xb: {  	[smem:$0x3FA3] =	sst s3  }
0xc: {  	[smem:$0x3FA4] =	sst s4  }
0xd: {  	[smem:$0x3FA5] =	sst s5  }
0xe: {  	[smem:$0x3FA6] =	sst s6  }
0xf: {  	[smem:$0x3FA7] =	sst s7  }
0x10: {  	[smem:$0x3FA8] =	sst s8  }
0x11: {  	[smem:$0x3FA9] =	sst s9;
	s0 =	simm.s32 @!p0 $0x0  }
0x12: {  	s1 =	sld [smem:$0x3F8F];
	s0 =	simm.s32 @p0 $0x1  }
0x13: {  	[smem:$0x3FAA] =	sst s0;
	s0 =	simm.s32 @!p1 $0x0  }
0x14: {  	s2 =	sld [smem:$0x3F8E];
	s0 =	simm.s32 @p1 $0x1  }
0x15: {  	[smem:$0x3FAB] =	sst s0;
	s0 =	simm.s32 @!p2 $0x0  }
0x16: {  	s3 =	sld [smem:$0x3FDB];
	s0 =	simm.s32 @p2 $0x1  }
0x17: {  	s4 =	simm.s32 $0x1BF5;
	[smem:$0x3FAD] =	sst s0  }
0x18: {  	s0 =	sld [smem:$0x3F90];
	_ =	swait.ge [sflag:s4], $0x0  }
0x19: {  	s7 =	sld [smem:$0x3F91]  }
0x1a: {  	s8 =	sadd.s32 $0xFFFFE003, lr  }
0x1b: {  	s9 =	sadd.s32 $0xFFFFFEF7, lr;
	s5 =	simm.s32 $0xFFFFFFFF;
	p2 =	slt.u32 s8, $0xFFFFF086  }
0x1c: {  	p1 =	slt.u32 s9, $0xF7A;
	s5 =	simm.s32 @!p2 $0x0  }
0x1d: {  	s5 =	simm.s32 @p1 $0x1;
	p0 =	seq.s32 s7, s2  }
0x1e: {  	s7 =	smul.u32 @!p0 $0xF7A, s2;
	p2 =	seq.s32 @!p0 s5, $0x0  }
0x1f: {  	s9 =	smul.u32 $0xF7A, s1;
	s8 =	simm.s32 @!p0 $0x1BF5;
	p2 =	por !p2, p0  }
0x20: {  	[sflag:s8] =	ssyncset.s32 @!p0 $0xFFFFF086;
	s6 =	sadd.s32 @!p0 s3, s7;
	s7 =	simm.s32 @!p0 $0x108  }
0x21: {  	s3 =	sadd.s32 s3, s9;
	s6 =	sadd.s32 @!p0 $0x88, s6;
	s7 =	simm.s32 @p2 $0x1082  }
0x22: {  	[simem:s7], [sflag:s8] =	dma.local @!p0 [hbm:s6], $0xF7A  }
0x23: {  	s9 =	sor.u32 $0xD0000000, s2;
	s6 =	simm.s32 $0x108;
	_ =	swait.ge @!p0 [sflag:s8], $0x0  }
0x24: {  	s3 =	sadd.s32 $0x88, s3;
	s6 =	simm.s32 @!p1 $0x1082;
	[sflag:s4] =	ssyncset.s32 $0xFFFFF086  }
0x25: {  	[simem:s6], [sflag:s4] =	dma.local [hbm:s3], $0xF7A  }
0x26: {  	[smem:$0x3F91] =	sst s1;
	(tag) =	ssettag s2;
	_ =	strace s9  }
0x27: {  	s1 =	sld [smem:$0x3FA1]  }
0x28: {  	s2 =	sld [smem:$0x3FA2]  }
0x29: {  	s4 =	sld [smem:$0x3FA4]  }
0x2a: {  	p0 =	seq.s32 s5, $0x0;
	s5 =	sld [smem:$0x3FA5]  }
0x2b: {  	s6 =	sld [smem:$0x3FA6]  }
0x2c: {  	s7 =	sld [smem:$0x3FA7]  }
0x2d: {  	s3 =	simm.s32 $0x108;
	s8 =	sld [smem:$0x3FA8]  }
0x2e: {  	s3 =	simm.s32 @!p0 $0x1082;
	s9 =	sld [smem:$0x3FA9]  }
0x2f: {  	lr =	sadd.s32 s0, s3;
	s0 =	sld [smem:$0x3FA0]  }
0x30: {  	s3 =	sld [smem:$0x3FA3]  }
0x31: {  	[smem:$0x3FAC] =	sst s10  }
0x32: {  	s10 =	sld [smem:$0x3FAA];
	_ =	sdelay $0x3  }
0x33: {  	p0 =	seq.s32 s10, $0x1;
	s10 =	sld [smem:$0x3FAC];
	_ =	sdelay $0x3  }
0x34: {  	[smem:$0x3FAC] =	sst s10  }
0x35: {  	s10 =	sld [smem:$0x3FAB];
	_ =	sdelay $0x3  }
0x36: {  	p1 =	seq.s32 s10, $0x1;
	s10 =	sld [smem:$0x3FAC];
	_ =	sdelay $0x3  }
0x37: {  	[smem:$0x3FAC] =	sst s10  }
0x38: {  	s10 =	sld [smem:$0x3FAD]  }
0x39: {  	_ = 	snop;
	(pc) =	sbr.ind lr, $3  }
0x3a: {  	_ = 	snop  }
0x3b: {  	_ = 	snop  }
0x3c: {  	p2 =	seq.s32 s10, $0x1;
	s10 =	sld [smem:$0x3FAC]  }
0x3d: {  	_ =	shalt  }
0x3e: {  	_ =	shalt  }
0x3f: {  	_ =	shalt  }
0x40: {  	_ =	shalt  }
0x41: {  	_ =	shalt  }
0x42: {  	_ =	shalt  }
0x43: {  	_ =	shalt  }
0x44: {  	_ =	shalt  }
0x45: {  	_ =	shalt  }
0x46: {  	_ =	shalt  }
0x47: {  	_ =	shalt  }
0x48: {  	_ =	shalt  }
0x49: {  	_ =	shalt  }
0x4a: {  	_ =	shalt  }
0x4b: {  	_ =	shalt  }
0x4c: {  	_ =	shalt  }
0x4d: {  	_ =	shalt  }
0x4e: {  	_ =	shalt  }
0x4f: {  	_ =	shalt  }
0x50: {  	_ =	shalt  }
0x51: {  	_ =	shalt  }
0x52: {  	_ =	shalt  }
0x53: {  	_ =	shalt  }
0x54: {  	_ =	shalt  }
0x55: {  	_ =	shalt  }
0x56: {  	_ =	shalt  }
0x57: {  	_ =	shalt  }
0x58: {  	_ =	shalt  }
0x59: {  	_ =	shalt  }
0x5a: {  	_ =	shalt  }
0x5b: {  	_ =	shalt  }
0x5c: {  	_ =	shalt  }
0x5d: {  	_ =	shalt  }
0x5e: {  	_ =	shalt  }
0x5f: {  	_ =	shalt  }
0x60: {  	_ =	shalt  }
0x61: {  	_ =	shalt  }
0x62: {  	_ =	shalt  }
0x63: {  	_ =	shalt  }
0x64: {  	_ =	shalt  }
0x65: {  	_ =	shalt  }
0x66: {  	_ =	shalt  }
0x67: {  	_ =	shalt  }
0x68: {  	_ =	shalt  }
0x69: {  	_ =	shalt  }
0x6a: {  	_ =	shalt  }
0x6b: {  	_ =	shalt  }
0x6c: {  	_ =	shalt  }
0x6d: {  	_ =	shalt  }
0x6e: {  	_ =	shalt  }
0x6f: {  	_ =	shalt  }
0x70: {  	_ =	shalt  }
0x71: {  	_ =	shalt  }
0x72: {  	_ =	shalt  }
0x73: {  	_ =	shalt  }
0x74: {  	_ =	shalt  }
0x75: {  	_ =	shalt  }
0x76: {  	_ =	shalt  }
0x77: {  	_ =	shalt  }
0x78: {  	_ =	shalt  }
0x79: {  	_ =	shalt  }
0x7a: {  	_ =	shalt  }
0x7b: {  	_ =	shalt  }
0x7c: {  	_ =	shalt  }
0x7d: {  	_ =	shalt  }
0x7e: {  	_ =	shalt  }
0x7f: {  	_ =	shalt  }
0x80: {  	_ =	shalt  }
0x81: {  	_ =	shalt  }
0x82: {  	_ =	shalt  }
0x83: {  	_ =	shalt  }
0x84: {  	_ =	shalt  }
0x85: {  	_ =	shalt  }
0x86: {  	_ =	shalt  }
0x87: {  	_ =	shalt  }
.Lfunc_end0:
.L_simem_size_0:
called_computation_lowered:
.L_overlay_start_0:
0x88: {  	s2 =	sld [smem:$0x3FD9]  }
0x89: {  	s3 =	sld [smem:$0x3FFE];
	_ =	sdelay $0x1  }
0x8a: {  	s1 =	srdreg.scid  }
0x8b: {  	s0 =	sand.u32 $0x1, s1  }
0x8c: {  	s17 =	sshll.u32 s0, $0xA;
	s2 =	sadd.s32 s3, s2  }
0x8d: {  	s2 =	sadd.s32 s2, s17  }
0x8e: {  	[smem:$0x3FB8] =	sst s2  }
0x8f: {  	_ = 	snop  }
0x90: {  	s2 =	sld [smem:$0x3FC9]  }
0x91: {  	s18 =	sld [smem:$0x3FC8]  }
0x92: {  	s4 =	sld [smem:$0x3FC7]  }
0x93: {  	s5 =	sld [smem:$0x3FC6]  }
0x94: {  	s6 =	sld [smem:$0x3FC5]  }
0x95: {  	s7 =	sld [smem:$0x3FD0];
	(tm) =	ssettm $0x1  }
0x96: {  	s8 =	sld [smem:$0x3FFB];
	_ =	sdelay $0x3  }
0x97: {  	_ =	strace s8  }
0x98: {  	s8 =	sld [smem:$0x3FFC];
	_ =	sdelay $0x3  }
0x99: {  	_ =	strace s8  }
0x9a: {  	s8 =	sld [smem:$0x3FFD];
	_ =	sdelay $0x3  }
0x9b: {  	_ =	strace s8  }
0x9c: {  	_ =	strace $0x8FFFFFFF  }
0x9d: {  	s19 =	sld [smem:$0x3FDB];
	_ =	sdelay $0x1  }
0x9e: {  	s9 =	simm.s32 $_scs_section_size  }
0x9f: {  	s10 =	simm.s32 $_size__tile_overlayer_lowered;
	s11 =	simm.s32 $_tile_overlayer_lowered  }
0xa0: {  	s22 =	simm.s32 $0x1BFF;
	s21 =	sshll.u32 s11, $0x1;
	s8 =	sadd.s32 s9, s19  }
0xa1: {  	s12 =	simm.s32 $0x0;
	s20 =	sshll.u32 s10, $0x1;
	s10 =	sadd.s32 s21, s8  }
0xa2: {  	[timem:s12], [sflag:s22] =	dma.local [hbm:s10], s20  }
0xa3: {  	_ =	swait.ge [sflag:s22], s20  }
0xa4: {  	s9 =	ssub.s32 $0x0, s20;
	[sflag:s22] =	ssyncset.done $0x0  }
0xa5: {  	[sflag:s22] =	ssyncadd.s32 s9;
	_ =	sdelay $0x1  }
0xa6: {  	s23 =	simm.s32 $0x1B8B  }
0xa7: {  	_ =	swait.ge [sflag:s23], $0x1  }
0xa8: {  	[sflag:s23] =	ssyncset.done $0x0  }
0xa9: {  	s25 =	simm.s32 $0x1B8E;
	s24 =	sld [smem:$0x3FFE];
	[sflag:s23] =	ssyncadd.s32 $0xFFFFFFFF  }
0xaa: {  	s26 =	simm.s32 $execute0_lowered;
	[smem:$0x3FD2] =	sst s25  }
0xab: {  	s10 =	sshll.u32 s26, $0x1;
	_ =	strace $0x80000046;
	[dreg:$0x1] =	wrdreg $0xFFFFFFFF  }
0xac: {  	s28 =	simm.s32 $_size_execute0_lowered;
	s8 =	sadd.s32 s8, s10;
	[dreg:$0x0] =	wrdreg $0x0  }
0xad: {  	s10 =	sshll.u32 s28, $0x1;
	[dreg:$0x2] =	wrdreg s8  }
0xae: {  	[dreg:$0x3] =	wrdreg s10  }
0xaf: {  	[dreg:$0x4] =	wrdreg $0xC0  }
0xb0: {  	_ =	task [dreg:s12], $0x5FFFF  }
0xb1: {  	[dreg:$0x1] =	wrdreg $0xFFFFFFFF  }
0xb2: {  	[dreg:$0x0] =	wrdreg $0x60  }
0xb3: {  	[dreg:$0x2] =	wrdreg s24  }
0xb4: {  	[dreg:$0x3] =	wrdreg s7  }
0xb5: {  	[dreg:$0x4] =	wrdreg s2  }
0xb6: {  	[dreg:$0x5] =	wrdreg s6  }
0xb7: {  	[dreg:$0x6] =	wrdreg s4  }
0xb8: {  	[dreg:$0x7] =	wrdreg s5  }
0xb9: {  	[dreg:$0x8] =	wrdreg s18  }
0xba: {  	[dreg:$0x9] =	wrdreg $0x9  }
0xbb: {  	_ =	task.clear_ibuf [dreg:s12], $0xAFFFF;
	_ =	strace $0x90000046  }
0xbc: {  	s29 =	simm.s32 $0x9;
	_ =	strace $0x80000048  }
0xbd: {  	_ =	swait.ge [sflag:s29], $0x1  }
0xbe: {  	[sflag:s29] =	ssyncadd.s32 $0xFFFFFFFF  }
0xbf: {  	_ =	strace $0x90000048  }
0xc0: {  	_ =	sfence  }
0xc1: {  	s30 =	sld [smem:$0x0];
	_ =	sdelay $0x2  }
0xc2: {  	s31 =	sshll.u32 s1, $0xD;
	s1 =	sshrl.u32 s1, $0x2  }
0xc3: {  	s3 =	sand.u32 $0x4000, s31;
	s1 =	sadd.s32 s1, s30  }
0xc4: {  	s0 =	sor.u32 s3, s0;
	s1 =	sshll.u32 s1, $0x11  }
0xc5: {  	s0 =	sor.u32 s1, s0  }
0xc6: {  	s0 =	sadd.s32 $0x8F2B, s0  }
0xc7: {  	[sflag:s0] =	ssyncadd.remote.s32 $0x1  }
0xc8: {  	_ =	sfence.sel $0xFFFF  }
0xc9: {  	[dreg:$0x0] =	wrdreg $0xFFFFFFFF;
	(pc) =	sbr.abs _section_cstart, $3  }
0xca: {  	[dreg:$0x1] =	wrdreg $0xFFFFFFFF  }
0xcb: {  	_ =	task.clear_ibuf [dreg:s12], $0x2FFFF;
	_ =	strace $0x9FFFFFFF  }
0xcc: {  	(tm) =	ssettm $0x7FFFFFFF  }
0xcd: {  	_ =	shalt  }
tec
execute0_lowered:
.L_overlay_start_1:
0x0: {  	(tag) =	ssettag $0x1  }
0x1: {  	s0 =	rddreg [dreg:$0x0]  }
0x2: {  	s2 =	rddreg [dreg:$0x1]  }
0x3: {  	s1 =	rddreg [dreg:$0x2]  }
0x4: {  	s3 =	rddreg [dreg:$0x3]  }
0x5: {  	s7 =	rddreg [dreg:$0x4]  }
0x6: {  	s8 =	rddreg [dreg:$0x5]  }
0x7: {  	s9 =	rddreg [dreg:$0x6];
	s5 =	srdreg.scid  }
0x8: {  	s6 =	stileid.u32;
	s4 =	simm.s32 $0x0;
	s15 =	simm.s32 $0x4  }
0x9: {  	s16 =	simm.s32 $0x80;
	s17 =	simm.s32 $0x200;
	s18 =	simm.s32 $0x2200  }
0xa: {  	s19 =	simm.s32 $0x100;
	s20 =	simm.s32 $0x4200;
	s21 =	simm.s32 $0x180  }
0xb: {  	s22 =	simm.s32 $0x6200;
	s23 =	simm.s32 $0x8200;
	s24 =	simm.s32 $0x2  }
0xc: {  	s25 =	simm.s32 $0x1;
	s26 =	simm.s32 $0x3;
	s28 =	simm.s32 $0x0  }
0xd: {  	s5 =	sand.u32 $0x1, s5;
	s6 =	sshll.u32 s6, $0x1;
	[smem:$0x7FF] =	sst s4  }
0xe: {  	s6 =	sor.u32 s5, s6;
	_ =	strace $0x80000047;
	s5 =	ssub.s32 $0x2, s5  }
0xf: {  	s10 =	sshll.u32 s6, $0xC;
	s31 =	sshrl.u32 s5, $0x1;
	s11 =	sshll.u32 s6, $0x6  }
0x10: {  	s13 =	sadd.s32 s10, s0;
	s14 =	ssub.s32 s5, s31;
	s5 =	sadd.s32 s1, s11  }
0x11: {  	s6 =	sadd.s32 s3, s11;
	s7 =	sadd.s32 s7, s11;
	s8 =	sadd.s32 s8, s11  }
0x12: {  	v0 =	vlaneseq.u32;
	s9 =	sadd.s32 s9, s11;
	s10 =	sadd.s32 $0x2000, s13;
	s11 =	sadd.s32 $0x2400, s13  }
0x13: {  	v0 =	vmul.u32 $0x40, v0;
	s12 =	sadd.s32 $0x2800, s13;
	s13 =	sadd.s32 $0x2C00, s13;
	s14 =	smax.u32 s14, $0x1  }
.LBB2_1:
0x14: {  	[tilespmem:s4], [sflag:$0x4] =	stream.linear.gather [hbm4b:s5+s4], $0x200, $0x38;
	[tilespmem:$0x8AC0] =	vst v63  }
0x15: {  	_ =	swait.ge [sflag:s15], $0x200  }
0x16: {  	[sflag:s15] =	ssyncset.done $0x0  }
0x17: {  	[sflag:s15] =	ssyncadd.s32 $0xFFFFFE00  }
0x18: {  	[tilespmem:s17], [sflag:$0x1] =	stream.indirect.gather [hbm4b:s0+s16], $0x40, s4, s16, $0xb8;
	[tilespmem:$0x8AC0] =	vst v63  }
0x19: {  	_ = 	snop  }
0x1a: {  	[tilespmem:s18], [sflag:$0x1] =	stream.indirect.gather [hbm4b:s0+s16], $0x40, s16, s16, $0xb8;
	[tilespmem:$0x8AC0] =	vst v63  }
0x1b: {  	_ = 	snop  }
0x1c: {  	[tilespmem:s20], [sflag:$0x1] =	stream.indirect.gather [hbm4b:s0+s16], $0x40, s19, s16, $0xb8;
	[tilespmem:$0x8AC0] =	vst v63  }
0x1d: {  	_ = 	snop  }
0x1e: {  	[tilespmem:s22], [sflag:$0x1] =	stream.indirect.gather [hbm4b:s0+s16], $0x40, s21, s16, $0xb8;
	[tilespmem:$0x8AC0] =	vst v63  }
0x1f: {  	_ = 	snop  }
0x20: {  	[tilespmem:s23], [sflag:$0x2] =	stream.linear.gather [hbm4b:s2+s4], $0xC0, $0x38;
	[tilespmem:$0x8AC0] =	vst v63  }
0x21: {  	s29 =	simm.s32 $0x82C0  }
0x22: {  	[tilespmem:s29], [sflag:$0x2] =	stream.linear.gather [hbm4b:s6+s4], $0x200, $0x38;
	[tilespmem:$0x8AC0] =	vst v63  }
0x23: {  	s30 =	simm.s32 $0x84C0  }
0x24: {  	[tilespmem:s30], [sflag:$0x2] =	stream.linear.gather [hbm4b:s7+s4], $0x200, $0x38;
	[tilespmem:$0x8AC0] =	vst v63  }
0x25: {  	s31 =	simm.s32 $0x86C0  }
0x26: {  	[tilespmem:s31], [sflag:$0x2] =	stream.linear.gather [hbm4b:s8+s4], $0x200, $0x38;
	[tilespmem:$0x8AC0] =	vst v63  }
0x27: {  	s1 =	simm.s32 $0x88C0  }
0x28: {  	[tilespmem:s1], [sflag:$0x2] =	stream.linear.gather [hbm4b:s9+s4], $0x200, $0x38;
	[tilespmem:$0x8AC0] =	vst v63  }
0x29: {  	_ =	swait.ge [sflag:s24], $0xC0  }
0x2a: {  	[sflag:s24] =	ssyncset.done $0x0  }
0x2b: {  	[sflag:s24] =	ssyncadd.s32 $0xFFFFFF40  }
0x2c: {  	_ =	swait.ge [sflag:s24], $0x200  }
0x2d: {  	[sflag:s24] =	ssyncset.done $0x0  }
0x2e: {  	[sflag:s24] =	ssyncadd.s32 $0xFFFFFE00  }
0x2f: {  	_ =	swait.ge [sflag:s24], $0x200  }
0x30: {  	[sflag:s24] =	ssyncset.done $0x0  }
0x31: {  	[sflag:s24] =	ssyncadd.s32 $0xFFFFFE00  }
0x32: {  	_ =	swait.ge [sflag:s24], $0x200  }
0x33: {  	[sflag:s24] =	ssyncset.done $0x0  }
0x34: {  	[sflag:s24] =	ssyncadd.s32 $0xFFFFFE00  }
0x35: {  	_ =	swait.ge [sflag:s24], $0x200  }
0x36: {  	[sflag:s24] =	ssyncset.done $0x0  }
0x37: {  	[sflag:s24] =	ssyncadd.s32 $0xFFFFFE00  }
0x38: {  	_ =	swait.ge [sflag:s25], $0x2000  }
0x39: {  	[sflag:s25] =	ssyncset.done $0x0  }
0x3a: {  	s3 =	simm.s32 $0x0;
	[sflag:s25] =	ssyncadd.s32 $0xFFFFE000  }
.LBB2_2:
0x3b: {  	v1 =	vld [tilespmem:s29+$0x0];
	_ =	sdelay $0x4  }
0x3c: {  	v1 =	vmul.u32 $0x5, v1;
	_ =	sdelay $0x2  }
0x3d: {  	v2 =	vmov s3  }
0x3e: {  	v2 =	vshll.u32 v2, $0x6  }
0x3f: {  	v2 =	vor.u32 v0, v2  }
0x40: {  	v4 =	vor.u32 $0x19, v2;
	v3 =	vld.idx.msk [tilespmem:v1+s23+$0x0], $0xffff  }
0x41: {  	v5 =	vadd.s32 $0x1, v1;
	_ =	sdelay $0x3  }
0x42: {  	[tilespmem:v4+s17+$0x0] =	vst.idx.msk $0xffff, v3  }
0x43: {  	v55 =	vor.u32 $0x1A, v2;
	v3 =	vld.idx.msk [tilespmem:v5+s23+$0x0], $0xffff  }
0x44: {  	v56 =	vadd.s32 $0x2, v1;
	_ =	sdelay $0x3  }
0x45: {  	[tilespmem:v55+s17+$0x0] =	vst.idx.msk $0xffff, v3  }
0x46: {  	v57 =	vor.u32 $0x1B, v2;
	v3 =	vld.idx.msk [tilespmem:v56+s23+$0x0], $0xffff  }
0x47: {  	v58 =	vadd.s32 $0x3, v1;
	_ =	sdelay $0x3  }
0x48: {  	[tilespmem:v57+s17+$0x0] =	vst.idx.msk $0xffff, v3  }
0x49: {  	v59 =	vor.u32 $0x1C, v2;
	v3 =	vld.idx.msk [tilespmem:v58+s23+$0x0], $0xffff  }
0x4a: {  	v1 =	vadd.s32 $0x4, v1;
	_ =	sdelay $0x3  }
0x4b: {  	[tilespmem:v59+s17+$0x0] =	vst.idx.msk $0xffff, v3  }
0x4c: {  	v3 =	vor.u32 $0x1D, v2;
	v1 =	vld.idx.msk [tilespmem:v1+s23+$0x0], $0xffff;
	_ =	sdelay $0x4  }
0x4d: {  	[tilespmem:v3+s17+$0x0] =	vst.idx.msk $0xffff, v1  }
0x4e: {  	v1 =	vld [tilespmem:s30+$0x0];
	_ =	sdelay $0x4  }
0x4f: {  	v1 =	vmul.u32 $0x3, v1;
	_ =	sdelay $0x1  }
0x50: {  	v3 =	vadd.s32 $0x78, v1;
	_ =	sdelay $0x4  }
0x51: {  	v60 =	vor.u32 $0x1E, v2;
	v3 =	vld.idx.msk [tilespmem:v3+s23+$0x0], $0xffff  }
0x52: {  	v61 =	vadd.s32 $0x79, v1;
	_ =	sdelay $0x3  }
0x53: {  	[tilespmem:v60+s17+$0x0] =	vst.idx.msk $0xffff, v3  }
0x54: {  	v62 =	vor.u32 $0x1F, v2;
	v3 =	vld.idx.msk [tilespmem:v61+s23+$0x0], $0xffff  }
0x55: {  	v1 =	vadd.s32 $0x7A, v1;
	_ =	sdelay $0x3  }
0x56: {  	[tilespmem:v62+s17+$0x0] =	vst.idx.msk $0xffff, v3  }
0x57: {  	v3 =	vor.u32 $0x20, v2;
	v1 =	vld.idx.msk [tilespmem:v1+s23+$0x0], $0xffff;
	_ =	sdelay $0x4  }
0x58: {  	[tilespmem:v3+s17+$0x0] =	vst.idx.msk $0xffff, v1  }
0x59: {  	v1 =	vld [tilespmem:s31+$0x0];
	_ =	sdelay $0x4  }
0x5a: {  	v1 =	vshll.u32 v1, $0x1  }
0x5b: {  	v3 =	vadd.s32 $0x9C, v1;
	_ =	sdelay $0x4  }
0x5c: {  	v63 =	vor.u32 $0x21, v2;
	v3 =	vld.idx.msk [tilespmem:v3+s23+$0x0], $0xffff  }
0x5d: {  	v1 =	vadd.s32 $0x9D, v1;
	_ =	sdelay $0x3  }
0x5e: {  	[tilespmem:v63+s17+$0x0] =	vst.idx.msk $0xffff, v3  }
0x5f: {  	v3 =	vor.u32 $0x22, v2;
	v1 =	vld.idx.msk [tilespmem:v1+s23+$0x0], $0xffff;
	_ =	sdelay $0x4  }
0x60: {  	[tilespmem:v3+s17+$0x0] =	vst.idx.msk $0xffff, v1  }
0x61: {  	v1 =	vld [tilespmem:s1+$0x0];
	_ =	sdelay $0x4  }
0x62: {  	v1 =	vadd.s32 $0xAA, v1;
	_ =	sdelay $0x4  }
0x63: {  	p0 =	sne.s32 s3, $0x70;
	v2 =	vor.u32 $0x23, v2;
	v1 =	vld.idx.msk [tilespmem:v1+s23+$0x0], $0xffff  }
.Ltmp0:
0x64: {  	_ = 	snop;
	(pc) =	sbr.rel @p0 .LBB2_2-.Ltmp0, $3  }
0x65: {  	_ =	sdelay $0x1  }
0x66: {  	s29 =	sadd.s32 $0x10, s29;
	s3 =	sadd.s32 $0x10, s3  }
0x67: {  	s30 =	sadd.s32 $0x10, s30;
	s31 =	sadd.s32 $0x10, s31;
	s1 =	sadd.s32 $0x10, s1;
	[tilespmem:v2+s17+$0x0] =	vst.idx.msk $0xffff, v1  }
0x68: {  	[hbm4b:s10+s4] =	stream.linear.scatter [tilespmem:s17], [sflag:$0x3], $0x2000, $0x38;
	[tilespmem:$0x8AC0] =	vst v63  }
0x69: {  	s1 =	simm.s32 $0x80;
	_ =	swait.ge [sflag:s25], $0x2000  }
0x6a: {  	s29 =	simm.s32 $0x8340;
	s30 =	simm.s32 $0x8540;
	[sflag:s25] =	ssyncset.done $0x0  }
0x6b: {  	s31 =	simm.s32 $0x8740;
	s3 =	simm.s32 $0x8940;
	[sflag:s25] =	ssyncadd.s32 $0xFFFFE000  }
.LBB2_4:
0x6c: {  	v1 =	vld [tilespmem:s29+$0x0];
	_ =	sdelay $0x4  }
0x6d: {  	v1 =	vmul.u32 $0x5, v1;
	_ =	sdelay $0x2  }
0x6e: {  	v2 =	vmov s1  }
0x6f: {  	v2 =	vshll.u32 v2, $0x6  }
0x70: {  	v2 =	vor.u32 v0, v2  }
0x71: {  	v4 =	vor.u32 $0x19, v2;
	v3 =	vld.idx.msk [tilespmem:v1+s23+$0x0], $0xffff  }
0x72: {  	v5 =	vadd.s32 $0x1, v1;
	_ =	sdelay $0x3  }
0x73: {  	[tilespmem:v4+s17+$0x0] =	vst.idx.msk $0xffff, v3  }
0x74: {  	v55 =	vor.u32 $0x1A, v2;
	v3 =	vld.idx.msk [tilespmem:v5+s23+$0x0], $0xffff  }
0x75: {  	v56 =	vadd.s32 $0x2, v1;
	_ =	sdelay $0x3  }
0x76: {  	[tilespmem:v55+s17+$0x0] =	vst.idx.msk $0xffff, v3  }
0x77: {  	v57 =	vor.u32 $0x1B, v2;
	v3 =	vld.idx.msk [tilespmem:v56+s23+$0x0], $0xffff  }
0x78: {  	v58 =	vadd.s32 $0x3, v1;
	_ =	sdelay $0x3  }
0x79: {  	[tilespmem:v57+s17+$0x0] =	vst.idx.msk $0xffff, v3  }
0x7a: {  	v59 =	vor.u32 $0x1C, v2;
	v3 =	vld.idx.msk [tilespmem:v58+s23+$0x0], $0xffff  }
0x7b: {  	v1 =	vadd.s32 $0x4, v1;
	_ =	sdelay $0x3  }
0x7c: {  	[tilespmem:v59+s17+$0x0] =	vst.idx.msk $0xffff, v3  }
0x7d: {  	v3 =	vor.u32 $0x1D, v2;
	v1 =	vld.idx.msk [tilespmem:v1+s23+$0x0], $0xffff;
	_ =	sdelay $0x4  }
0x7e: {  	[tilespmem:v3+s17+$0x0] =	vst.idx.msk $0xffff, v1  }
0x7f: {  	v1 =	vld [tilespmem:s30+$0x0];
	_ =	sdelay $0x4  }
0x80: {  	v1 =	vmul.u32 $0x3, v1;
	_ =	sdelay $0x1  }
0x81: {  	v3 =	vadd.s32 $0x78, v1;
	_ =	sdelay $0x4  }
0x82: {  	v60 =	vor.u32 $0x1E, v2;
	v3 =	vld.idx.msk [tilespmem:v3+s23+$0x0], $0xffff  }
0x83: {  	v61 =	vadd.s32 $0x79, v1;
	_ =	sdelay $0x3  }
0x84: {  	[tilespmem:v60+s17+$0x0] =	vst.idx.msk $0xffff, v3  }
0x85: {  	v62 =	vor.u32 $0x1F, v2;
	v3 =	vld.idx.msk [tilespmem:v61+s23+$0x0], $0xffff  }
0x86: {  	v1 =	vadd.s32 $0x7A, v1;
	_ =	sdelay $0x3  }
0x87: {  	[tilespmem:v62+s17+$0x0] =	vst.idx.msk $0xffff, v3  }
0x88: {  	v3 =	vor.u32 $0x20, v2;
	v1 =	vld.idx.msk [tilespmem:v1+s23+$0x0], $0xffff;
	_ =	sdelay $0x4  }
0x89: {  	[tilespmem:v3+s17+$0x0] =	vst.idx.msk $0xffff, v1  }
0x8a: {  	v1 =	vld [tilespmem:s31+$0x0];
	_ =	sdelay $0x4  }
0x8b: {  	v1 =	vshll.u32 v1, $0x1  }
0x8c: {  	v3 =	vadd.s32 $0x9C, v1;
	_ =	sdelay $0x4  }
0x8d: {  	v63 =	vor.u32 $0x21, v2;
	v3 =	vld.idx.msk [tilespmem:v3+s23+$0x0], $0xffff  }
0x8e: {  	v1 =	vadd.s32 $0x9D, v1;
	_ =	sdelay $0x3  }
0x8f: {  	[tilespmem:v63+s17+$0x0] =	vst.idx.msk $0xffff, v3  }
0x90: {  	v3 =	vor.u32 $0x22, v2;
	v1 =	vld.idx.msk [tilespmem:v1+s23+$0x0], $0xffff;
	_ =	sdelay $0x4  }
0x91: {  	[tilespmem:v3+s17+$0x0] =	vst.idx.msk $0xffff, v1  }
0x92: {  	v1 =	vld [tilespmem:s3+$0x0];
	_ =	sdelay $0x4  }
0x93: {  	v1 =	vadd.s32 $0xAA, v1;
	_ =	sdelay $0x4  }
0x94: {  	p0 =	sne.s32 s1, $0xF0;
	v2 =	vor.u32 $0x23, v2;
	v1 =	vld.idx.msk [tilespmem:v1+s23+$0x0], $0xffff  }
.Ltmp1:
0x95: {  	_ = 	snop;
	(pc) =	sbr.rel @p0 .LBB2_4-.Ltmp1, $3  }
0x96: {  	_ =	sdelay $0x1  }
0x97: {  	s29 =	sadd.s32 $0x10, s29;
	s1 =	sadd.s32 $0x10, s1  }
0x98: {  	s30 =	sadd.s32 $0x10, s30;
	s31 =	sadd.s32 $0x10, s31;
	s3 =	sadd.s32 $0x10, s3;
	[tilespmem:v2+s17+$0x0] =	vst.idx.msk $0xffff, v1  }
0x99: {  	[hbm4b:s11+s4] =	stream.linear.scatter [tilespmem:s18], [sflag:$0x3], $0x2000, $0x38;
	[tilespmem:$0x8AC0] =	vst v63  }
0x9a: {  	s1 =	simm.s32 $0x100;
	_ =	swait.ge [sflag:s25], $0x2000  }
0x9b: {  	s29 =	simm.s32 $0x83C0;
	s30 =	simm.s32 $0x85C0;
	[sflag:s25] =	ssyncset.done $0x0  }
0x9c: {  	s31 =	simm.s32 $0x87C0;
	s3 =	simm.s32 $0x89C0;
	[sflag:s25] =	ssyncadd.s32 $0xFFFFE000  }
.LBB2_6:
0x9d: {  	v1 =	vld [tilespmem:s29+$0x0];
	_ =	sdelay $0x4  }
0x9e: {  	v1 =	vmul.u32 $0x5, v1;
	_ =	sdelay $0x2  }
0x9f: {  	v2 =	vmov s1  }
0xa0: {  	v2 =	vshll.u32 v2, $0x6  }
0xa1: {  	v2 =	vor.u32 v0, v2  }
0xa2: {  	v4 =	vor.u32 $0x19, v2;
	v3 =	vld.idx.msk [tilespmem:v1+s23+$0x0], $0xffff  }
0xa3: {  	v5 =	vadd.s32 $0x1, v1;
	_ =	sdelay $0x3  }
0xa4: {  	[tilespmem:v4+s17+$0x0] =	vst.idx.msk $0xffff, v3  }
0xa5: {  	v55 =	vor.u32 $0x1A, v2;
	v3 =	vld.idx.msk [tilespmem:v5+s23+$0x0], $0xffff  }
0xa6: {  	v56 =	vadd.s32 $0x2, v1;
	_ =	sdelay $0x3  }
0xa7: {  	[tilespmem:v55+s17+$0x0] =	vst.idx.msk $0xffff, v3  }
0xa8: {  	v57 =	vor.u32 $0x1B, v2;
	v3 =	vld.idx.msk [tilespmem:v56+s23+$0x0], $0xffff  }
0xa9: {  	v58 =	vadd.s32 $0x3, v1;
	_ =	sdelay $0x3  }
0xaa: {  	[tilespmem:v57+s17+$0x0] =	vst.idx.msk $0xffff, v3  }
0xab: {  	v59 =	vor.u32 $0x1C, v2;
	v3 =	vld.idx.msk [tilespmem:v58+s23+$0x0], $0xffff  }
0xac: {  	v1 =	vadd.s32 $0x4, v1;
	_ =	sdelay $0x3  }
0xad: {  	[tilespmem:v59+s17+$0x0] =	vst.idx.msk $0xffff, v3  }
0xae: {  	v3 =	vor.u32 $0x1D, v2;
	v1 =	vld.idx.msk [tilespmem:v1+s23+$0x0], $0xffff;
	_ =	sdelay $0x4  }
0xaf: {  	[tilespmem:v3+s17+$0x0] =	vst.idx.msk $0xffff, v1  }
0xb0: {  	v1 =	vld [tilespmem:s30+$0x0];
	_ =	sdelay $0x4  }
0xb1: {  	v1 =	vmul.u32 $0x3, v1;
	_ =	sdelay $0x1  }
0xb2: {  	v3 =	vadd.s32 $0x78, v1;
	_ =	sdelay $0x4  }
0xb3: {  	v60 =	vor.u32 $0x1E, v2;
	v3 =	vld.idx.msk [tilespmem:v3+s23+$0x0], $0xffff  }
0xb4: {  	v61 =	vadd.s32 $0x79, v1;
	_ =	sdelay $0x3  }
0xb5: {  	[tilespmem:v60+s17+$0x0] =	vst.idx.msk $0xffff, v3  }
0xb6: {  	v62 =	vor.u32 $0x1F, v2;
	v3 =	vld.idx.msk [tilespmem:v61+s23+$0x0], $0xffff  }
0xb7: {  	v1 =	vadd.s32 $0x7A, v1;
	_ =	sdelay $0x3  }
0xb8: {  	[tilespmem:v62+s17+$0x0] =	vst.idx.msk $0xffff, v3  }
0xb9: {  	v3 =	vor.u32 $0x20, v2;
	v1 =	vld.idx.msk [tilespmem:v1+s23+$0x0], $0xffff;
	_ =	sdelay $0x4  }
0xba: {  	[tilespmem:v3+s17+$0x0] =	vst.idx.msk $0xffff, v1  }
0xbb: {  	v1 =	vld [tilespmem:s31+$0x0];
	_ =	sdelay $0x4  }
0xbc: {  	v1 =	vshll.u32 v1, $0x1  }
0xbd: {  	v3 =	vadd.s32 $0x9C, v1;
	_ =	sdelay $0x4  }
0xbe: {  	v63 =	vor.u32 $0x21, v2;
	v3 =	vld.idx.msk [tilespmem:v3+s23+$0x0], $0xffff  }
0xbf: {  	v1 =	vadd.s32 $0x9D, v1;
	_ =	sdelay $0x3  }
0xc0: {  	[tilespmem:v63+s17+$0x0] =	vst.idx.msk $0xffff, v3  }
0xc1: {  	v3 =	vor.u32 $0x22, v2;
	v1 =	vld.idx.msk [tilespmem:v1+s23+$0x0], $0xffff;
	_ =	sdelay $0x4  }
0xc2: {  	[tilespmem:v3+s17+$0x0] =	vst.idx.msk $0xffff, v1  }
0xc3: {  	v1 =	vld [tilespmem:s3+$0x0];
	_ =	sdelay $0x4  }
0xc4: {  	v1 =	vadd.s32 $0xAA, v1;
	_ =	sdelay $0x4  }
0xc5: {  	p0 =	sne.s32 s1, $0x170;
	v2 =	vor.u32 $0x23, v2;
	v1 =	vld.idx.msk [tilespmem:v1+s23+$0x0], $0xffff  }
.Ltmp2:
0xc6: {  	_ = 	snop;
	(pc) =	sbr.rel @p0 .LBB2_6-.Ltmp2, $3  }
0xc7: {  	_ =	sdelay $0x1  }
0xc8: {  	s29 =	sadd.s32 $0x10, s29;
	s1 =	sadd.s32 $0x10, s1  }
0xc9: {  	s30 =	sadd.s32 $0x10, s30;
	s31 =	sadd.s32 $0x10, s31;
	s3 =	sadd.s32 $0x10, s3;
	[tilespmem:v2+s17+$0x0] =	vst.idx.msk $0xffff, v1  }
0xca: {  	[hbm4b:s12+s4] =	stream.linear.scatter [tilespmem:s20], [sflag:$0x3], $0x2000, $0x38;
	[tilespmem:$0x8AC0] =	vst v63  }
0xcb: {  	s1 =	simm.s32 $0x180;
	_ =	swait.ge [sflag:s25], $0x2000  }
0xcc: {  	s29 =	simm.s32 $0x8440;
	s30 =	simm.s32 $0x8640;
	[sflag:s25] =	ssyncset.done $0x0  }
0xcd: {  	s31 =	simm.s32 $0x8840;
	s3 =	simm.s32 $0x8A40;
	[sflag:s25] =	ssyncadd.s32 $0xFFFFE000  }
.LBB2_8:
0xce: {  	v1 =	vld [tilespmem:s29+$0x0];
	_ =	sdelay $0x4  }
0xcf: {  	v1 =	vmul.u32 $0x5, v1;
	_ =	sdelay $0x2  }
0xd0: {  	v2 =	vmov s1  }
0xd1: {  	v2 =	vshll.u32 v2, $0x6  }
0xd2: {  	v2 =	vor.u32 v0, v2  }
0xd3: {  	v4 =	vor.u32 $0x19, v2;
	v3 =	vld.idx.msk [tilespmem:v1+s23+$0x0], $0xffff  }
0xd4: {  	v5 =	vadd.s32 $0x1, v1;
	_ =	sdelay $0x3  }
0xd5: {  	[tilespmem:v4+s17+$0x0] =	vst.idx.msk $0xffff, v3  }
0xd6: {  	v55 =	vor.u32 $0x1A, v2;
	v3 =	vld.idx.msk [tilespmem:v5+s23+$0x0], $0xffff  }
0xd7: {  	v56 =	vadd.s32 $0x2, v1;
	_ =	sdelay $0x3  }
0xd8: {  	[tilespmem:v55+s17+$0x0] =	vst.idx.msk $0xffff, v3  }
0xd9: {  	v57 =	vor.u32 $0x1B, v2;
	v3 =	vld.idx.msk [tilespmem:v56+s23+$0x0], $0xffff  }
0xda: {  	v58 =	vadd.s32 $0x3, v1;
	_ =	sdelay $0x3  }
0xdb: {  	[tilespmem:v57+s17+$0x0] =	vst.idx.msk $0xffff, v3  }
0xdc: {  	v59 =	vor.u32 $0x1C, v2;
	v3 =	vld.idx.msk [tilespmem:v58+s23+$0x0], $0xffff  }
0xdd: {  	v1 =	vadd.s32 $0x4, v1;
	_ =	sdelay $0x3  }
0xde: {  	[tilespmem:v59+s17+$0x0] =	vst.idx.msk $0xffff, v3  }
0xdf: {  	v3 =	vor.u32 $0x1D, v2;
	v1 =	vld.idx.msk [tilespmem:v1+s23+$0x0], $0xffff;
	_ =	sdelay $0x4  }
0xe0: {  	[tilespmem:v3+s17+$0x0] =	vst.idx.msk $0xffff, v1  }
0xe1: {  	v1 =	vld [tilespmem:s30+$0x0];
	_ =	sdelay $0x4  }
0xe2: {  	v1 =	vmul.u32 $0x3, v1;
	_ =	sdelay $0x1  }
0xe3: {  	v3 =	vadd.s32 $0x78, v1;
	_ =	sdelay $0x4  }
0xe4: {  	v60 =	vor.u32 $0x1E, v2;
	v3 =	vld.idx.msk [tilespmem:v3+s23+$0x0], $0xffff  }
0xe5: {  	v61 =	vadd.s32 $0x79, v1;
	_ =	sdelay $0x3  }
0xe6: {  	[tilespmem:v60+s17+$0x0] =	vst.idx.msk $0xffff, v3  }
0xe7: {  	v62 =	vor.u32 $0x1F, v2;
	v3 =	vld.idx.msk [tilespmem:v61+s23+$0x0], $0xffff  }
0xe8: {  	v1 =	vadd.s32 $0x7A, v1;
	_ =	sdelay $0x3  }
0xe9: {  	[tilespmem:v62+s17+$0x0] =	vst.idx.msk $0xffff, v3  }
0xea: {  	v3 =	vor.u32 $0x20, v2;
	v1 =	vld.idx.msk [tilespmem:v1+s23+$0x0], $0xffff;
	_ =	sdelay $0x4  }
0xeb: {  	[tilespmem:v3+s17+$0x0] =	vst.idx.msk $0xffff, v1  }
0xec: {  	v1 =	vld [tilespmem:s31+$0x0];
	_ =	sdelay $0x4  }
0xed: {  	v1 =	vshll.u32 v1, $0x1  }
0xee: {  	v3 =	vadd.s32 $0x9C, v1;
	_ =	sdelay $0x4  }
0xef: {  	v63 =	vor.u32 $0x21, v2;
	v3 =	vld.idx.msk [tilespmem:v3+s23+$0x0], $0xffff  }
0xf0: {  	v1 =	vadd.s32 $0x9D, v1;
	_ =	sdelay $0x3  }
0xf1: {  	[tilespmem:v63+s17+$0x0] =	vst.idx.msk $0xffff, v3  }
0xf2: {  	v3 =	vor.u32 $0x22, v2;
	v1 =	vld.idx.msk [tilespmem:v1+s23+$0x0], $0xffff;
	_ =	sdelay $0x4  }
0xf3: {  	[tilespmem:v3+s17+$0x0] =	vst.idx.msk $0xffff, v1  }
0xf4: {  	v1 =	vld [tilespmem:s3+$0x0];
	_ =	sdelay $0x4  }
0xf5: {  	v1 =	vadd.s32 $0xAA, v1;
	_ =	sdelay $0x4  }
0xf6: {  	p0 =	sne.s32 s1, $0x1F0;
	v2 =	vor.u32 $0x23, v2;
	v1 =	vld.idx.msk [tilespmem:v1+s23+$0x0], $0xffff  }
.Ltmp3:
0xf7: {  	_ = 	snop;
	(pc) =	sbr.rel @p0 .LBB2_8-.Ltmp3, $3  }
0xf8: {  	_ =	sdelay $0x1  }
0xf9: {  	s29 =	sadd.s32 $0x10, s29;
	s1 =	sadd.s32 $0x10, s1  }
0xfa: {  	s30 =	sadd.s32 $0x10, s30;
	s31 =	sadd.s32 $0x10, s31;
	s3 =	sadd.s32 $0x10, s3;
	[tilespmem:v2+s17+$0x0] =	vst.idx.msk $0xffff, v1  }
0xfb: {  	[hbm4b:s13+s4] =	stream.linear.scatter [tilespmem:s22], [sflag:$0x3], $0x2000, $0x38;
	[tilespmem:$0x8AC0] =	vst v63  }
0xfc: {  	_ =	swait.ge [sflag:s26], $0x2000  }
0xfd: {  	[sflag:s26] =	ssyncset.done $0x0  }
0xfe: {  	[sflag:s26] =	ssyncadd.s32 $0xFFFFE000  }
0xff: {  	_ =	swait.ge [sflag:s26], $0x2000  }
0x100: {  	[sflag:s26] =	ssyncset.done $0x0  }
0x101: {  	s28 =	sadd.s32 $0x1, s28;
	[sflag:s26] =	ssyncadd.s32 $0xFFFFE000  }
0x102: {  	p0 =	sne.s32 s28, s14;
	_ =	swait.ge [sflag:s26], $0x2000  }
.Ltmp4:
0x103: {  	[sflag:s26] =	ssyncset.done $0x0;
	(pc) =	sbr.rel @p0 .LBB2_1-.Ltmp4, $4  }
0x104: {  	[sflag:s26] =	ssyncadd.s32 $0xFFFFE000  }
0x105: {  	_ =	swait.ge [sflag:s26], $0x2000  }
0x106: {  	[sflag:s26] =	ssyncset.done $0x0  }
0x107: {  	[sflag:s26] =	ssyncadd.s32 $0xFFFFE000  }
0x108: {  	_ =	sfence.sel $0x180000  }
0x109: {  	[bflag:$0x0] =	sbarrier.arrive $0xFFFF  }
0x10a: {  	_ =	strace $0x90000047  }
0x10b: {  	s0 =	stileid.u32;
	[bflag:$0x2] =	sbarrier.arrive $0xFFFF  }
0x10c: {  	p0 =	sne.s32 s0, $0x0;
	s0 =	rddreg [dreg:$0x7]  }
0x10d: {  	s0 =	sadd.s32 @!p0 $0x100000, s0  }
0x10e: {  	[sflag:s0] =	ssyncadd.tile.s32 @!p0 $0x1;
	_ =	shalt  }
.Lfunc_end2:
_tile_overlayer_lowered:
.L_overlay_start_2:
0x10f: {  	(tag) =	ssettag $0x2  }
0x110: {  	s0 =	rddreg [dreg:$0x0];
	s2 =	stileid.u32  }
0x111: {  	s1 =	rddreg [dreg:$0x1];
	p0 =	sne.s32 s2, $0x0  }
0x112: {  	s3 =	rddreg [dreg:$0x2];
	[bflag:$0x3] =	sbarrier.arrive $0xFFFF;
	s2 =	simm.s32 @!p0 $0x1C04  }
0x113: {  	[timem:s3], [sflag:s2] =	dma.local @!p0 [hbm:s0], s1  }
0x114: {  	s0 =	simm.s32 @!p0 $0x4  }
0x115: {  	_ =	swait.ge @!p0 [sflag:s0], s1  }
0x116: {  	s1 =	ssub.s32 @!p0 $0x0, s1;
	[sflag:s0] =	ssyncset.done @!p0 $0x0  }
0x117: {  	[sflag:s0] =	ssyncadd.s32 @!p0 s1  }
0x118: {  	[bflag:$0x3] =	sbarrier.arrive $0xFFFF  }
0x119: {  	_ =	shalt  }

</sc_bundles>
